<compile_context>
chip_gen: v7x
topology: tpu7x:2x2x1
jax: 0.10.2.dev20260603
libtpu: 0.0.44.dev20260713+nightly
codegen_flags: <defaults>
</compile_context>

<pallas_src>
import functools

import jax
import jax.numpy as jnp
from jax import lax
from jax.experimental import pallas as pl
from jax.experimental.pallas import tpu as pltpu
from jax.experimental.pallas import tpu_sc as plsc

_HIST = 50
_BATCH = 4096
_D = 64
_NC = 2
_NS = 16
_NW = _NC * _NS
_BLK = _BATCH // _NW
_SCALE = 8.0

_mesh = plsc.VectorSubcoreMesh(
    core_axis_name="c", subcore_axis_name="s", num_cores=_NC, num_subcores=_NS
)


@functools.partial(
    pl.kernel,
    out_type=jax.ShapeDtypeStruct((_HIST, _D // 8, _NW, 8, _BLK), jnp.float32),
    mesh=_mesh,
    scratch_types=[
        pltpu.VMEM((_BLK,), jnp.int32),
        pltpu.VMEM((_BLK,), jnp.int32),
        pltpu.VMEM((_BLK, _D), jnp.float32),
        pltpu.VMEM((_BLK, _D), jnp.float32),
        pltpu.VMEM((_D, _BLK), jnp.float32),
        pltpu.VMEM((_D, _BLK), jnp.float32),
        pltpu.SemaphoreType.DMA,
        pltpu.SemaphoreType.DMA,
        pltpu.SemaphoreType.DMA,
        pltpu.SemaphoreType.DMA,
    ],
    compiler_params=pltpu.CompilerParams(
        use_tc_tiling_on_sc=False, needs_layout_passes=False
    ),
)
def _emb_lookup(tok_hbm, table_hbm, out_hbm,
                idx0, idx1, rows0, rows1, stg0, stg1,
                gsem0, gsem1, ssem0, ssem1):
    wid = lax.axis_index("s") * _NC + lax.axis_index("c")
    idxs = (idx0, idx1)
    rows = (rows0, rows1)
    stgs = (stg0, stg1)
    gsems = (gsem0, gsem1)
    ssems = (ssem0, ssem1)

    def prep_and_issue(b, h):
        pltpu.sync_copy(tok_hbm.at[h, wid], idxs[b])
        pltpu.async_copy(table_hbm.at[idxs[b]], rows[b], gsems[b])

    def transform(b):
        buf = rows[b]
        stg = stgs[b]
        lane = lax.iota(jnp.int32, 16)

        def grp_body(k, carry):
            row_idx = lane + 16 * k

            def blk(f0, carry2):
                def d_body(d, carry3):
                    fx = f0 + ((lane + d) & 15)
                    v = plsc.load_gather(buf, [row_idx, fx])
                    plsc.store_scatter(stg, [fx, row_idx], v * _SCALE)
                    return carry3

                lax.fori_loop(0, 16, d_body, 0, unroll=4)
                return carry2

            lax.fori_loop(0, 4, lambda i, c: blk(16 * i, c), 0)
            return carry

        lax.fori_loop(0, _BLK // 16, grp_body, 0)

    def wait_gather(b):
        pltpu.make_async_copy(table_hbm.at[idxs[b]], rows[b], gsems[b]).wait()

    def wait_out(b, h):
        for g in range(8):
            pltpu.make_async_copy(
                stgs[b].at[pl.ds(g * 8, 8)], out_hbm.at[h, g, wid], ssems[b]
            ).wait()

    def unit(b, h, g_iter):
        @pl.when(h + 1 < _HIST)
        def _():
            prep_and_issue(1 - b, h + 1)

        wait_gather(b)

        @pl.when(g_iter > 0)
        def _():
            wait_out(b, h)

        transform(b)
        for g in range(8):
            pltpu.async_copy(
                stgs[b].at[pl.ds(g * 8, 8)], out_hbm.at[h, g, wid], ssems[b]
            )

    prep_and_issue(0, 0)

    def body(g_iter, carry):
        unit(0, 2 * g_iter, g_iter)
        unit(1, 2 * g_iter + 1, g_iter)
        return carry

    lax.fori_loop(0, _HIST // 2, body, 0)

    wait_out(0, 0)
    wait_out(1, 0)


def kernel(b_tokens, table):
    tok3 = b_tokens.T.reshape(_HIST, _NW, _BLK).astype(jnp.int32)
    out5 = _emb_lookup(tok3, table)
    return out5.transpose(2, 4, 0, 1, 3).reshape(_BATCH, _HIST, _D)

# --- scband reference (transcript-rebuilt; emitter-appended) ---
"""Pipeline reference for scband-embedding-64811056496925 (READ-ONLY COPY).

The authoritative reference and input builder live on the scoring server;
editing this copy changes nothing except your own understanding.
"""

import jax, jax.numpy as jnp
import numpy as np
import math

VOCAB = 1000000
DIM = 64
BATCH = 4096
HIST = 50

def setup_inputs(seed: int = 0) -> dict:
    key = jax.random.key(seed)
    k_idx, k_tab = jax.random.split(key)
    b_tokens = jax.random.randint(k_idx, (BATCH, HIST), 0, VOCAB, dtype=jnp.int64 if jax.config.jax_enable_x64 else jnp.int32)
    table = jax.random.normal(k_tab, (VOCAB, DIM), dtype=jnp.float32)
    return {"b_tokens": b_tokens, "table": table}

def reference(b_tokens, table):
    scalar = math.sqrt(DIM)
    emb = jnp.take(table, b_tokens, axis=0)
    return emb * scalar

if __name__ == "__main__":
    import jax
    _d = setup_inputs()
    print(jax.jit(kernel)(*tuple(_d.values())))

</pallas_src>

<mosaic_0001>
#map = affine_map<(d0, d1) -> (0, 0, 0)>
#map1 = affine_map<(d0, d1) -> (0, 0)>
#map2 = affine_map<(d0, d1) -> (0, 0, 0, 0, 0)>
module attributes {stable_mosaic.version = 14 : i64} {
  func.func @_emb_lookup(%arg0: i32, %arg1: i32, %arg2: memref<50x32x128xi32, #tpu.memory_space<hbm>>, %arg3: memref<1000000x64xf32, #tpu.memory_space<hbm>>, %arg4: memref<50x8x32x8x128xf32, #tpu.memory_space<hbm>>, %arg5: memref<128xi32, #tpu.memory_space<vmem>>, %arg6: memref<128xi32, #tpu.memory_space<vmem>>, %arg7: memref<128x64xf32, #tpu.memory_space<vmem>>, %arg8: memref<128x64xf32, #tpu.memory_space<vmem>>, %arg9: memref<64x128xf32, #tpu.memory_space<vmem>>, %arg10: memref<64x128xf32, #tpu.memory_space<vmem>>, %arg11: memref<!tpu.dma_semaphore, #tpu.memory_space<semaphore_mem>>, %arg12: memref<!tpu.dma_semaphore, #tpu.memory_space<semaphore_mem>>, %arg13: memref<!tpu.dma_semaphore, #tpu.memory_space<semaphore_mem>>, %arg14: memref<!tpu.dma_semaphore, #tpu.memory_space<semaphore_mem>>) attributes {dimension_semantics = [#tpu.dimension_semantics<core_parallel>, #tpu.dimension_semantics<subcore_parallel>], iteration_bounds = array<i64: 2, 16>, scalar_prefetch = 0 : i64, scratch_operands = 10 : i64, tpu.core_type = #tpu.core_type<sc_vector_subcore>, window_params = [{transform_indices = #map}, {transform_indices = #map1}, {transform_indices = #map2}]} {
    %mul3A = arith.constant 2 : i32
    %mul3A_0 = arith.muli %arg1, %mul3A : i32
    %add3A = arith.addi %mul3A_0, %arg0 : i32
    %run_scoped3A = arith.constant 0 : i32
    "tpu.region"() ({
      %run_scoped3A_263 = tpu.sem_alloc : memref<!tpu.dma_semaphore, #tpu.memory_space<semaphore_mem>>
      %dma_start3A_264 = arith.constant 0 : i32
      %dma_start3A_265 = tpu.memref_slice %arg2[%run_scoped3A, %add3A, %dma_start3A_264] : memref<50x32x128xi32, #tpu.memory_space<hbm>> -> memref<1x1x128xi32, #tpu.memory_space<hbm>>
      %dma_start3A_266 = tpu.memref_squeeze %dma_start3A_265 : memref<1x1x128xi32, #tpu.memory_space<hbm>> -> memref<128xi32, #tpu.memory_space<hbm>>
      %dma_start3A_267 = arith.constant 0 : i32
      %dma_start3A_268 = tpu.memref_slice %arg2[%run_scoped3A, %add3A, %dma_start3A_267] : memref<50x32x128xi32, #tpu.memory_space<hbm>> -> memref<1x1x128xi32, #tpu.memory_space<hbm>>
      %dma_start3A_269 = tpu.memref_squeeze %dma_start3A_268 : memref<1x1x128xi32, #tpu.memory_space<hbm>> -> memref<128xi32, #tpu.memory_space<hbm>>
      tpu.enqueue_dma source(%dma_start3A_269 : memref<128xi32, #tpu.memory_space<hbm>>) target(%arg5 : memref<128xi32, #tpu.memory_space<vmem>>) target_semaphore(%run_scoped3A_263 : memref<!tpu.dma_semaphore, #tpu.memory_space<semaphore_mem>>)
      %dma_wait3A_270 = arith.constant 0 : i32
      %dma_wait3A_271 = tpu.memref_slice %arg2[%run_scoped3A, %add3A, %dma_wait3A_270] : memref<50x32x128xi32, #tpu.memory_space<hbm>> -> memref<1x1x128xi32, #tpu.memory_space<hbm>>
      %dma_wait3A_272 = tpu.memref_squeeze %dma_wait3A_271 : memref<1x1x128xi32, #tpu.memory_space<hbm>> -> memref<128xi32, #tpu.memory_space<hbm>>
      %dma_wait3A_273 = arith.constant 0 : i32
      %dma_wait3A_274 = tpu.memref_slice %arg2[%run_scoped3A, %add3A, %dma_wait3A_273] : memref<50x32x128xi32, #tpu.memory_space<hbm>> -> memref<1x1x128xi32, #tpu.memory_space<hbm>>
      %dma_wait3A_275 = tpu.memref_squeeze %dma_wait3A_274 : memref<1x1x128xi32, #tpu.memory_space<hbm>> -> memref<128xi32, #tpu.memory_space<hbm>>
      tpu.wait_dma2 semaphore(%run_scoped3A_263 : memref<!tpu.dma_semaphore, #tpu.memory_space<semaphore_mem>>) src(%dma_wait3A_275 : memref<128xi32, #tpu.memory_space<hbm>>) dst(%arg5 : memref<128xi32, #tpu.memory_space<vmem>>)
      tpu.yield
    }) : () -> ()
    %dma_start3A = arith.constant 0 : i32
    %dma_start3A_1 = arith.constant 0 : i32
    %dma_start3A_2 = tpu.memref_slice %arg3[%dma_start3A, %dma_start3A_1] : memref<1000000x64xf32, #tpu.memory_space<hbm>> -> memref<1000000x64xf32, #tpu.memory_space<hbm>>
    tpu.enqueue_indirect_dma source(%dma_start3A_2 : memref<1000000x64xf32, #tpu.memory_space<hbm>>) target(%arg7 : memref<128x64xf32, #tpu.memory_space<vmem>>) offsets(%arg5 : memref<128xi32, #tpu.memory_space<vmem>>) semaphore(%arg11 : memref<!tpu.dma_semaphore, #tpu.memory_space<semaphore_mem>>)
    %scan3A = arith.constant 0 : i32
    %scan3A_3 = arith.constant 0 : i32
    %scan3A_4 = arith.constant 25 : i32
    %scan3A_5 = arith.addi %scan3A_3, %scan3A_4 : i32
    %scan3A_6 = arith.constant 1 : i32
    scf.for %scan3A_263 = %scan3A_3 to %scan3A_5 step %scan3A_6  : i32 {
      %mul3A_264 = arith.constant 2 : i32
      %mul3A_265 = arith.muli %mul3A_264, %scan3A_263 : i32
      %add3A_266 = arith.constant 1 : i32
      %add3A_267 = arith.addi %mul3A_265, %add3A_266 : i32
      %lt3A = arith.constant 50 : i32
      %lt3A_268 = arith.cmpi slt, %add3A_267, %lt3A : i32
      %convert_element_type3A = arith.extui %lt3A_268 : i1 to i32
      %cond3A = arith.constant 0 : i32
      %cond3A_269 = arith.cmpi ne, %convert_element_type3A, %cond3A : i32
      scf.if %cond3A_269 {
        %add3A_549 = arith.constant 1 : i32
        %add3A_550 = arith.addi %mul3A_265, %add3A_549 : i32
        "tpu.region"() ({
          %run_scoped3A_554 = tpu.sem_alloc : memref<!tpu.dma_semaphore, #tpu.memory_space<semaphore_mem>>
          %dma_start3A_555 = arith.constant 0 : i32
          %dma_start3A_556 = tpu.memref_slice %arg2[%add3A_550, %add3A, %dma_start3A_555] : memref<50x32x128xi32, #tpu.memory_space<hbm>> -> memref<1x1x128xi32, #tpu.memory_space<hbm>>
          %dma_start3A_557 = tpu.memref_squeeze %dma_start3A_556 : memref<1x1x128xi32, #tpu.memory_space<hbm>> -> memref<128xi32, #tpu.memory_space<hbm>>
          %dma_start3A_558 = arith.constant 0 : i32
          %dma_start3A_559 = tpu.memref_slice %arg2[%add3A_550, %add3A, %dma_start3A_558] : memref<50x32x128xi32, #tpu.memory_space<hbm>> -> memref<1x1x128xi32, #tpu.memory_space<hbm>>
          %dma_start3A_560 = tpu.memref_squeeze %dma_start3A_559 : memref<1x1x128xi32, #tpu.memory_space<hbm>> -> memref<128xi32, #tpu.memory_space<hbm>>
          tpu.enqueue_dma source(%dma_start3A_560 : memref<128xi32, #tpu.memory_space<hbm>>) target(%arg6 : memref<128xi32, #tpu.memory_space<vmem>>) target_semaphore(%run_scoped3A_554 : memref<!tpu.dma_semaphore, #tpu.memory_space<semaphore_mem>>)
          %dma_wait3A_561 = arith.constant 0 : i32
          %dma_wait3A_562 = tpu.memref_slice %arg2[%add3A_550, %add3A, %dma_wait3A_561] : memref<50x32x128xi32, #tpu.memory_space<hbm>> -> memref<1x1x128xi32, #tpu.memory_space<hbm>>
          %dma_wait3A_563 = tpu.memref_squeeze %dma_wait3A_562 : memref<1x1x128xi32, #tpu.memory_space<hbm>> -> memref<128xi32, #tpu.memory_space<hbm>>
          %dma_wait3A_564 = arith.constant 0 : i32
          %dma_wait3A_565 = tpu.memref_slice %arg2[%add3A_550, %add3A, %dma_wait3A_564] : memref<50x32x128xi32, #tpu.memory_space<hbm>> -> memref<1x1x128xi32, #tpu.memory_space<hbm>>
          %dma_wait3A_566 = tpu.memref_squeeze %dma_wait3A_565 : memref<1x1x128xi32, #tpu.memory_space<hbm>> -> memref<128xi32, #tpu.memory_space<hbm>>
          tpu.wait_dma2 semaphore(%run_scoped3A_554 : memref<!tpu.dma_semaphore, #tpu.memory_space<semaphore_mem>>) src(%dma_wait3A_566 : memref<128xi32, #tpu.memory_space<hbm>>) dst(%arg6 : memref<128xi32, #tpu.memory_space<vmem>>)
          tpu.yield
        }) : () -> ()
        %dma_start3A_551 = arith.constant 0 : i32
        %dma_start3A_552 = arith.constant 0 : i32
        %dma_start3A_553 = tpu.memref_slice %arg3[%dma_start3A_551, %dma_start3A_552] : memref<1000000x64xf32, #tpu.memory_space<hbm>> -> memref<1000000x64xf32, #tpu.memory_space<hbm>>
        tpu.enqueue_indirect_dma source(%dma_start3A_553 : memref<1000000x64xf32, #tpu.memory_space<hbm>>) target(%arg8 : memref<128x64xf32, #tpu.memory_space<vmem>>) offsets(%arg6 : memref<128xi32, #tpu.memory_space<vmem>>) semaphore(%arg12 : memref<!tpu.dma_semaphore, #tpu.memory_space<semaphore_mem>>)
      } else {
      }
      %dma_wait3A_270 = arith.constant 0 : i32
      %dma_wait3A_271 = arith.constant 0 : i32
      %dma_wait3A_272 = tpu.memref_slice %arg3[%dma_wait3A_270, %dma_wait3A_271] : memref<1000000x64xf32, #tpu.memory_space<hbm>> -> memref<1000000x64xf32, #tpu.memory_space<hbm>>
      tpu.wait_indirect_dma semaphore(%arg11 : memref<!tpu.dma_semaphore, #tpu.memory_space<semaphore_mem>>) src(%dma_wait3A_272 : memref<1000000x64xf32, #tpu.memory_space<hbm>>) dst(%arg7 : memref<128x64xf32, #tpu.memory_space<vmem>>)
      %gt3A = arith.constant 0 : i32
      %gt3A_273 = arith.cmpi sgt, %scan3A_263, %gt3A : i32
      %convert_element_type3A_274 = arith.extui %gt3A_273 : i1 to i32
      %cond3A_275 = arith.constant 0 : i32
      %cond3A_276 = arith.cmpi ne, %convert_element_type3A_274, %cond3A_275 : i32
      scf.if %cond3A_276 {
        %dma_wait3A_549 = arith.constant 0 : i32
        %dma_wait3A_550 = arith.constant 0 : i32
        %dma_wait3A_551 = arith.constant 0 : i32
        %dma_wait3A_552 = tpu.memref_slice %arg9[%dma_wait3A_550, %dma_wait3A_551] : memref<64x128xf32, #tpu.memory_space<vmem>> -> memref<8x128xf32, #tpu.memory_space<vmem>>
        %dma_wait3A_553 = arith.constant 0 : i32
        %dma_wait3A_554 = arith.constant 0 : i32
        %dma_wait3A_555 = tpu.memref_slice %arg4[%mul3A_265, %dma_wait3A_549, %add3A, %dma_wait3A_553, %dma_wait3A_554] : memref<50x8x32x8x128xf32, #tpu.memory_space<hbm>> -> memref<1x1x1x8x128xf32, #tpu.memory_space<hbm>>
        %dma_wait3A_556 = tpu.memref_squeeze %dma_wait3A_555 : memref<1x1x1x8x128xf32, #tpu.memory_space<hbm>> -> memref<8x128xf32, #tpu.memory_space<hbm>>
        %dma_wait3A_557 = arith.constant 0 : i32
        %dma_wait3A_558 = arith.constant 0 : i32
        %dma_wait3A_559 = tpu.memref_slice %arg4[%mul3A_265, %dma_wait3A_549, %add3A, %dma_wait3A_557, %dma_wait3A_558] : memref<50x8x32x8x128xf32, #tpu.memory_space<hbm>> -> memref<1x1x1x8x128xf32, #tpu.memory_space<hbm>>
        %dma_wait3A_560 = tpu.memref_squeeze %dma_wait3A_559 : memref<1x1x1x8x128xf32, #tpu.memory_space<hbm>> -> memref<8x128xf32, #tpu.memory_space<hbm>>
        %dma_wait3A_561 = arith.constant 0 : i32
        %dma_wait3A_562 = arith.constant 0 : i32
        %dma_wait3A_563 = tpu.memref_slice %arg9[%dma_wait3A_561, %dma_wait3A_562] : memref<64x128xf32, #tpu.memory_space<vmem>> -> memref<8x128xf32, #tpu.memory_space<vmem>>
        tpu.wait_dma2 semaphore(%arg13 : memref<!tpu.dma_semaphore, #tpu.memory_space<semaphore_mem>>) src(%dma_wait3A_563 : memref<8x128xf32, #tpu.memory_space<vmem>>) dst(%dma_wait3A_560 : memref<8x128xf32, #tpu.memory_space<hbm>>)
        %dma_wait3A_564 = arith.constant 1 : i32
        %dma_wait3A_565 = arith.constant 8 : i32
        %dma_wait3A_566 = arith.constant 0 : i32
        %dma_wait3A_567 = tpu.memref_slice %arg9[%dma_wait3A_565, %dma_wait3A_566] : memref<64x128xf32, #tpu.memory_space<vmem>> -> memref<8x128xf32, #tpu.memory_space<vmem>>
        %dma_wait3A_568 = arith.constant 0 : i32
        %dma_wait3A_569 = arith.constant 0 : i32
        %dma_wait3A_570 = tpu.memref_slice %arg4[%mul3A_265, %dma_wait3A_564, %add3A, %dma_wait3A_568, %dma_wait3A_569] : memref<50x8x32x8x128xf32, #tpu.memory_space<hbm>> -> memref<1x1x1x8x128xf32, #tpu.memory_space<hbm>>
        %dma_wait3A_571 = tpu.memref_squeeze %dma_wait3A_570 : memref<1x1x1x8x128xf32, #tpu.memory_space<hbm>> -> memref<8x128xf32, #tpu.memory_space<hbm>>
        %dma_wait3A_572 = arith.constant 0 : i32
        %dma_wait3A_573 = arith.constant 0 : i32
        %dma_wait3A_574 = tpu.memref_slice %arg4[%mul3A_265, %dma_wait3A_564, %add3A, %dma_wait3A_572, %dma_wait3A_573] : memref<50x8x32x8x128xf32, #tpu.memory_space<hbm>> -> memref<1x1x1x8x128xf32, #tpu.memory_space<hbm>>
        %dma_wait3A_575 = tpu.memref_squeeze %dma_wait3A_574 : memref<1x1x1x8x128xf32, #tpu.memory_space<hbm>> -> memref<8x128xf32, #tpu.memory_space<hbm>>
        %dma_wait3A_576 = arith.constant 8 : i32
        %dma_wait3A_577 = arith.constant 0 : i32
        %dma_wait3A_578 = tpu.memref_slice %arg9[%dma_wait3A_576, %dma_wait3A_577] : memref<64x128xf32, #tpu.memory_space<vmem>> -> memref<8x128xf32, #tpu.memory_space<vmem>>
        tpu.wait_dma2 semaphore(%arg13 : memref<!tpu.dma_semaphore, #tpu.memory_space<semaphore_mem>>) src(%dma_wait3A_578 : memref<8x128xf32, #tpu.memory_space<vmem>>) dst(%dma_wait3A_575 : memref<8x128xf32, #tpu.memory_space<hbm>>)
        %dma_wait3A_579 = arith.constant 2 : i32
        %dma_wait3A_580 = arith.constant 16 : i32
        %dma_wait3A_581 = arith.constant 0 : i32
        %dma_wait3A_582 = tpu.memref_slice %arg9[%dma_wait3A_580, %dma_wait3A_581] : memref<64x128xf32, #tpu.memory_space<vmem>> -> memref<8x128xf32, #tpu.memory_space<vmem>>
        %dma_wait3A_583 = arith.constant 0 : i32
        %dma_wait3A_584 = arith.constant 0 : i32
        %dma_wait3A_585 = tpu.memref_slice %arg4[%mul3A_265, %dma_wait3A_579, %add3A, %dma_wait3A_583, %dma_wait3A_584] : memref<50x8x32x8x128xf32, #tpu.memory_space<hbm>> -> memref<1x1x1x8x128xf32, #tpu.memory_space<hbm>>
        %dma_wait3A_586 = tpu.memref_squeeze %dma_wait3A_585 : memref<1x1x1x8x128xf32, #tpu.memory_space<hbm>> -> memref<8x128xf32, #tpu.memory_space<hbm>>
        %dma_wait3A_587 = arith.constant 0 : i32
        %dma_wait3A_588 = arith.constant 0 : i32
        %dma_wait3A_589 = tpu.memref_slice %arg4[%mul3A_265, %dma_wait3A_579, %add3A, %dma_wait3A_587, %dma_wait3A_588] : memref<50x8x32x8x128xf32, #tpu.memory_space<hbm>> -> memref<1x1x1x8x128xf32, #tpu.memory_space<hbm>>
        %dma_wait3A_590 = tpu.memref_squeeze %dma_wait3A_589 : memref<1x1x1x8x128xf32, #tpu.memory_space<hbm>> -> memref<8x128xf32, #tpu.memory_space<hbm>>
        %dma_wait3A_591 = arith.constant 16 : i32
        %dma_wait3A_592 = arith.constant 0 : i32
        %dma_wait3A_593 = tpu.memref_slice %arg9[%dma_wait3A_591, %dma_wait3A_592] : memref<64x128xf32, #tpu.memory_space<vmem>> -> memref<8x128xf32, #tpu.memory_space<vmem>>
        tpu.wait_dma2 semaphore(%arg13 : memref<!tpu.dma_semaphore, #tpu.memory_space<semaphore_mem>>) src(%dma_wait3A_593 : memref<8x128xf32, #tpu.memory_space<vmem>>) dst(%dma_wait3A_590 : memref<8x128xf32, #tpu.memory_space<hbm>>)
        %dma_wait3A_594 = arith.constant 3 : i32
        %dma_wait3A_595 = arith.constant 24 : i32
        %dma_wait3A_596 = arith.constant 0 : i32
        %dma_wait3A_597 = tpu.memref_slice %arg9[%dma_wait3A_595, %dma_wait3A_596] : memref<64x128xf32, #tpu.memory_space<vmem>> -> memref<8x128xf32, #tpu.memory_space<vmem>>
        %dma_wait3A_598 = arith.constant 0 : i32
        %dma_wait3A_599 = arith.constant 0 : i32
        %dma_wait3A_600 = tpu.memref_slice %arg4[%mul3A_265, %dma_wait3A_594, %add3A, %dma_wait3A_598, %dma_wait3A_599] : memref<50x8x32x8x128xf32, #tpu.memory_space<hbm>> -> memref<1x1x1x8x128xf32, #tpu.memory_space<hbm>>
        %dma_wait3A_601 = tpu.memref_squeeze %dma_wait3A_600 : memref<1x1x1x8x128xf32, #tpu.memory_space<hbm>> -> memref<8x128xf32, #tpu.memory_space<hbm>>
        %dma_wait3A_602 = arith.constant 0 : i32
        %dma_wait3A_603 = arith.constant 0 : i32
        %dma_wait3A_604 = tpu.memref_slice %arg4[%mul3A_265, %dma_wait3A_594, %add3A, %dma_wait3A_602, %dma_wait3A_603] : memref<50x8x32x8x128xf32, #tpu.memory_space<hbm>> -> memref<1x1x1x8x128xf32, #tpu.memory_space<hbm>>
        %dma_wait3A_605 = tpu.memref_squeeze %dma_wait3A_604 : memref<1x1x1x8x128xf32, #tpu.memory_space<hbm>> -> memref<8x128xf32, #tpu.memory_space<hbm>>
        %dma_wait3A_606 = arith.constant 24 : i32
        %dma_wait3A_607 = arith.constant 0 : i32
        %dma_wait3A_608 = tpu.memref_slice %arg9[%dma_wait3A_606, %dma_wait3A_607] : memref<64x128xf32, #tpu.memory_space<vmem>> -> memref<8x128xf32, #tpu.memory_space<vmem>>
        tpu.wait_dma2 semaphore(%arg13 : memref<!tpu.dma_semaphore, #tpu.memory_space<semaphore_mem>>) src(%dma_wait3A_608 : memref<8x128xf32, #tpu.memory_space<vmem>>) dst(%dma_wait3A_605 : memref<8x128xf32, #tpu.memory_space<hbm>>)
        %dma_wait3A_609 = arith.constant 4 : i32
        %dma_wait3A_610 = arith.constant 32 : i32
        %dma_wait3A_611 = arith.constant 0 : i32
        %dma_wait3A_612 = tpu.memref_slice %arg9[%dma_wait3A_610, %dma_wait3A_611] : memref<64x128xf32, #tpu.memory_space<vmem>> -> memref<8x128xf32, #tpu.memory_space<vmem>>
        %dma_wait3A_613 = arith.constant 0 : i32
        %dma_wait3A_614 = arith.constant 0 : i32
        %dma_wait3A_615 = tpu.memref_slice %arg4[%mul3A_265, %dma_wait3A_609, %add3A, %dma_wait3A_613, %dma_wait3A_614] : memref<50x8x32x8x128xf32, #tpu.memory_space<hbm>> -> memref<1x1x1x8x128xf32, #tpu.memory_space<hbm>>
        %dma_wait3A_616 = tpu.memref_squeeze %dma_wait3A_615 : memref<1x1x1x8x128xf32, #tpu.memory_space<hbm>> -> memref<8x128xf32, #tpu.memory_space<hbm>>
        %dma_wait3A_617 = arith.constant 0 : i32
        %dma_wait3A_618 = arith.constant 0 : i32
        %dma_wait3A_619 = tpu.memref_slice %arg4[%mul3A_265, %dma_wait3A_609, %add3A, %dma_wait3A_617, %dma_wait3A_618] : memref<50x8x32x8x128xf32, #tpu.memory_space<hbm>> -> memref<1x1x1x8x128xf32, #tpu.memory_space<hbm>>
        %dma_wait3A_620 = tpu.memref_squeeze %dma_wait3A_619 : memref<1x1x1x8x128xf32, #tpu.memory_space<hbm>> -> memref<8x128xf32, #tpu.memory_space<hbm>>
        %dma_wait3A_621 = arith.constant 32 : i32
        %dma_wait3A_622 = arith.constant 0 : i32
        %dma_wait3A_623 = tpu.memref_slice %arg9[%dma_wait3A_621, %dma_wait3A_622] : memref<64x128xf32, #tpu.memory_space<vmem>> -> memref<8x128xf32, #tpu.memory_space<vmem>>
        tpu.wait_dma2 semaphore(%arg13 : memref<!tpu.dma_semaphore, #tpu.memory_space<semaphore_mem>>) src(%dma_wait3A_623 : memref<8x128xf32, #tpu.memory_space<vmem>>) dst(%dma_wait3A_620 : memref<8x128xf32, #tpu.memory_space<hbm>>)
        %dma_wait3A_624 = arith.constant 5 : i32
        %dma_wait3A_625 = arith.constant 40 : i32
        %dma_wait3A_626 = arith.constant 0 : i32
        %dma_wait3A_627 = tpu.memref_slice %arg9[%dma_wait3A_625, %dma_wait3A_626] : memref<64x128xf32, #tpu.memory_space<vmem>> -> memref<8x128xf32, #tpu.memory_space<vmem>>
        %dma_wait3A_628 = arith.constant 0 : i32
        %dma_wait3A_629 = arith.constant 0 : i32
        %dma_wait3A_630 = tpu.memref_slice %arg4[%mul3A_265, %dma_wait3A_624, %add3A, %dma_wait3A_628, %dma_wait3A_629] : memref<50x8x32x8x128xf32, #tpu.memory_space<hbm>> -> memref<1x1x1x8x128xf32, #tpu.memory_space<hbm>>
        %dma_wait3A_631 = tpu.memref_squeeze %dma_wait3A_630 : memref<1x1x1x8x128xf32, #tpu.memory_space<hbm>> -> memref<8x128xf32, #tpu.memory_space<hbm>>
        %dma_wait3A_632 = arith.constant 0 : i32
        %dma_wait3A_633 = arith.constant 0 : i32
        %dma_wait3A_634 = tpu.memref_slice %arg4[%mul3A_265, %dma_wait3A_624, %add3A, %dma_wait3A_632, %dma_wait3A_633] : memref<50x8x32x8x128xf32, #tpu.memory_space<hbm>> -> memref<1x1x1x8x128xf32, #tpu.memory_space<hbm>>
        %dma_wait3A_635 = tpu.memref_squeeze %dma_wait3A_634 : memref<1x1x1x8x128xf32, #tpu.memory_space<hbm>> -> memref<8x128xf32, #tpu.memory_space<hbm>>
        %dma_wait3A_636 = arith.constant 40 : i32
        %dma_wait3A_637 = arith.constant 0 : i32
        %dma_wait3A_638 = tpu.memref_slice %arg9[%dma_wait3A_636, %dma_wait3A_637] : memref<64x128xf32, #tpu.memory_space<vmem>> -> memref<8x128xf32, #tpu.memory_space<vmem>>
        tpu.wait_dma2 semaphore(%arg13 : memref<!tpu.dma_semaphore, #tpu.memory_space<semaphore_mem>>) src(%dma_wait3A_638 : memref<8x128xf32, #tpu.memory_space<vmem>>) dst(%dma_wait3A_635 : memref<8x128xf32, #tpu.memory_space<hbm>>)
        %dma_wait3A_639 = arith.constant 6 : i32
        %dma_wait3A_640 = arith.constant 48 : i32
        %dma_wait3A_641 = arith.constant 0 : i32
        %dma_wait3A_642 = tpu.memref_slice %arg9[%dma_wait3A_640, %dma_wait3A_641] : memref<64x128xf32, #tpu.memory_space<vmem>> -> memref<8x128xf32, #tpu.memory_space<vmem>>
        %dma_wait3A_643 = arith.constant 0 : i32
        %dma_wait3A_644 = arith.constant 0 : i32
        %dma_wait3A_645 = tpu.memref_slice %arg4[%mul3A_265, %dma_wait3A_639, %add3A, %dma_wait3A_643, %dma_wait3A_644] : memref<50x8x32x8x128xf32, #tpu.memory_space<hbm>> -> memref<1x1x1x8x128xf32, #tpu.memory_space<hbm>>
        %dma_wait3A_646 = tpu.memref_squeeze %dma_wait3A_645 : memref<1x1x1x8x128xf32, #tpu.memory_space<hbm>> -> memref<8x128xf32, #tpu.memory_space<hbm>>
        %dma_wait3A_647 = arith.constant 0 : i32
        %dma_wait3A_648 = arith.constant 0 : i32
        %dma_wait3A_649 = tpu.memref_slice %arg4[%mul3A_265, %dma_wait3A_639, %add3A, %dma_wait3A_647, %dma_wait3A_648] : memref<50x8x32x8x128xf32, #tpu.memory_space<hbm>> -> memref<1x1x1x8x128xf32, #tpu.memory_space<hbm>>
        %dma_wait3A_650 = tpu.memref_squeeze %dma_wait3A_649 : memref<1x1x1x8x128xf32, #tpu.memory_space<hbm>> -> memref<8x128xf32, #tpu.memory_space<hbm>>
        %dma_wait3A_651 = arith.constant 48 : i32
        %dma_wait3A_652 = arith.constant 0 : i32
        %dma_wait3A_653 = tpu.memref_slice %arg9[%dma_wait3A_651, %dma_wait3A_652] : memref<64x128xf32, #tpu.memory_space<vmem>> -> memref<8x128xf32, #tpu.memory_space<vmem>>
        tpu.wait_dma2 semaphore(%arg13 : memref<!tpu.dma_semaphore, #tpu.memory_space<semaphore_mem>>) src(%dma_wait3A_653 : memref<8x128xf32, #tpu.memory_space<vmem>>) dst(%dma_wait3A_650 : memref<8x128xf32, #tpu.memory_space<hbm>>)
        %dma_wait3A_654 = arith.constant 7 : i32
        %dma_wait3A_655 = arith.constant 56 : i32
        %dma_wait3A_656 = arith.constant 0 : i32
        %dma_wait3A_657 = tpu.memref_slice %arg9[%dma_wait3A_655, %dma_wait3A_656] : memref<64x128xf32, #tpu.memory_space<vmem>> -> memref<8x128xf32, #tpu.memory_space<vmem>>
        %dma_wait3A_658 = arith.constant 0 : i32
        %dma_wait3A_659 = arith.constant 0 : i32
        %dma_wait3A_660 = tpu.memref_slice %arg4[%mul3A_265, %dma_wait3A_654, %add3A, %dma_wait3A_658, %dma_wait3A_659] : memref<50x8x32x8x128xf32, #tpu.memory_space<hbm>> -> memref<1x1x1x8x128xf32, #tpu.memory_space<hbm>>
        %dma_wait3A_661 = tpu.memref_squeeze %dma_wait3A_660 : memref<1x1x1x8x128xf32, #tpu.memory_space<hbm>> -> memref<8x128xf32, #tpu.memory_space<hbm>>
        %dma_wait3A_662 = arith.constant 0 : i32
        %dma_wait3A_663 = arith.constant 0 : i32
        %dma_wait3A_664 = tpu.memref_slice %arg4[%mul3A_265, %dma_wait3A_654, %add3A, %dma_wait3A_662, %dma_wait3A_663] : memref<50x8x32x8x128xf32, #tpu.memory_space<hbm>> -> memref<1x1x1x8x128xf32, #tpu.memory_space<hbm>>
        %dma_wait3A_665 = tpu.memref_squeeze %dma_wait3A_664 : memref<1x1x1x8x128xf32, #tpu.memory_space<hbm>> -> memref<8x128xf32, #tpu.memory_space<hbm>>
        %dma_wait3A_666 = arith.constant 56 : i32
        %dma_wait3A_667 = arith.constant 0 : i32
        %dma_wait3A_668 = tpu.memref_slice %arg9[%dma_wait3A_666, %dma_wait3A_667] : memref<64x128xf32, #tpu.memory_space<vmem>> -> memref<8x128xf32, #tpu.memory_space<vmem>>
        tpu.wait_dma2 semaphore(%arg13 : memref<!tpu.dma_semaphore, #tpu.memory_space<semaphore_mem>>) src(%dma_wait3A_668 : memref<8x128xf32, #tpu.memory_space<vmem>>) dst(%dma_wait3A_665 : memref<8x128xf32, #tpu.memory_space<hbm>>)
      } else {
      }
      %iota3A = tpu.iota {dimensions = array<i32: 0>} : vector<16xi32>
      %scan3A_277 = arith.constant 0 : i32
      %scan3A_278 = arith.constant 0 : i32
      %scan3A_279 = arith.constant 8 : i32
      %scan3A_280 = arith.addi %scan3A_278, %scan3A_279 : i32
      %scan3A_281 = arith.constant 1 : i32
      scf.for %scan3A_549 = %scan3A_278 to %scan3A_280 step %scan3A_281  : i32 {
        %mul3A_550 = arith.constant 16 : i32
        %mul3A_551 = arith.muli %mul3A_550, %scan3A_549 : i32
        %add3A_552 = vector.broadcast %mul3A_551 : i32 to vector<16xi32>
        %add3A_553 = arith.addi %iota3A, %add3A_552 : vector<16xi32>
        %scan3A_554 = arith.constant 0 : i32
        %scan3A_555 = arith.constant 0 : i32
        %scan3A_556 = arith.constant 4 : i32
        %scan3A_557 = arith.addi %scan3A_555, %scan3A_556 : i32
        %scan3A_558 = arith.constant 1 : i32
        scf.for %scan3A_560 = %scan3A_555 to %scan3A_557 step %scan3A_558  : i32 {
          %mul3A_561 = arith.constant 16 : i32
          %mul3A_562 = arith.muli %mul3A_561, %scan3A_560 : i32
          %scan3A_563 = arith.constant 0 : i32
          %scan3A_564 = arith.constant 0 : i32
          %scan3A_565 = arith.constant 16 : i32
          %scan3A_566 = arith.addi %scan3A_564, %scan3A_565 : i32
          %scan3A_567 = arith.constant 4 : i32
          scf.for %scan3A_569 = %scan3A_564 to %scan3A_566 step %scan3A_567  : i32 {
            %add3A_570 = vector.broadcast %scan3A_569 : i32 to vector<16xi32>
            %add3A_571 = arith.addi %iota3A, %add3A_570 : vector<16xi32>
            %and3A = arith.constant 15 : i32
            %and3A_572 = vector.broadcast %and3A : i32 to vector<16xi32>
            %and3A_573 = arith.andi %add3A_571, %and3A_572 : vector<16xi32>
            %add3A_574 = vector.broadcast %mul3A_562 : i32 to vector<16xi32>
            %add3A_575 = arith.addi %add3A_574, %and3A_573 : vector<16xi32>
            %gather3A = tpu.vector_load_idx %arg7[%add3A_553, %add3A_575] : memref<128x64xf32, #tpu.memory_space<vmem>>[vector<16xi32>, vector<16xi32>], vector<16xf32>,
            %mul3A_576 = arith.constant 8.000000e+00 : f32
            %mul3A_577 = vector.broadcast %mul3A_576 : f32 to vector<16xf32>
            %mul3A_578 = arith.mulf %gather3A, %mul3A_577 : vector<16xf32>
            tpu.vector_store_idx %arg9[%add3A_575, %add3A_553], %mul3A_578 : memref<64x128xf32, #tpu.memory_space<vmem>>[vector<16xi32>, vector<16xi32>], vector<16xf32>,
            %scan3A_579 = arith.constant 1 : i32
            %scan3A_580 = arith.addi %scan3A_569, %scan3A_579 : i32
            %add3A_581 = vector.broadcast %scan3A_580 : i32 to vector<16xi32>
            %add3A_582 = arith.addi %iota3A, %add3A_581 : vector<16xi32>
            %and3A_583 = arith.constant 15 : i32
            %and3A_584 = vector.broadcast %and3A_583 : i32 to vector<16xi32>
            %and3A_585 = arith.andi %add3A_582, %and3A_584 : vector<16xi32>
            %add3A_586 = vector.broadcast %mul3A_562 : i32 to vector<16xi32>
            %add3A_587 = arith.addi %add3A_586, %and3A_585 : vector<16xi32>
            %gather3A_588 = tpu.vector_load_idx %arg7[%add3A_553, %add3A_587] : memref<128x64xf32, #tpu.memory_space<vmem>>[vector<16xi32>, vector<16xi32>], vector<16xf32>,
            %mul3A_589 = arith.constant 8.000000e+00 : f32
            %mul3A_590 = vector.broadcast %mul3A_589 : f32 to vector<16xf32>
            %mul3A_591 = arith.mulf %gather3A_588, %mul3A_590 : vector<16xf32>
            tpu.vector_store_idx %arg9[%add3A_587, %add3A_553], %mul3A_591 : memref<64x128xf32, #tpu.memory_space<vmem>>[vector<16xi32>, vector<16xi32>], vector<16xf32>,
            %scan3A_592 = arith.constant 2 : i32
            %scan3A_593 = arith.addi %scan3A_569, %scan3A_592 : i32
            %add3A_594 = vector.broadcast %scan3A_593 : i32 to vector<16xi32>
            %add3A_595 = arith.addi %iota3A, %add3A_594 : vector<16xi32>
            %and3A_596 = arith.constant 15 : i32
            %and3A_597 = vector.broadcast %and3A_596 : i32 to vector<16xi32>
            %and3A_598 = arith.andi %add3A_595, %and3A_597 : vector<16xi32>
            %add3A_599 = vector.broadcast %mul3A_562 : i32 to vector<16xi32>
            %add3A_600 = arith.addi %add3A_599, %and3A_598 : vector<16xi32>
            %gather3A_601 = tpu.vector_load_idx %arg7[%add3A_553, %add3A_600] : memref<128x64xf32, #tpu.memory_space<vmem>>[vector<16xi32>, vector<16xi32>], vector<16xf32>,
            %mul3A_602 = arith.constant 8.000000e+00 : f32
            %mul3A_603 = vector.broadcast %mul3A_602 : f32 to vector<16xf32>
            %mul3A_604 = arith.mulf %gather3A_601, %mul3A_603 : vector<16xf32>
            tpu.vector_store_idx %arg9[%add3A_600, %add3A_553], %mul3A_604 : memref<64x128xf32, #tpu.memory_space<vmem>>[vector<16xi32>, vector<16xi32>], vector<16xf32>,
            %scan3A_605 = arith.constant 3 : i32
            %scan3A_606 = arith.addi %scan3A_569, %scan3A_605 : i32
            %add3A_607 = vector.broadcast %scan3A_606 : i32 to vector<16xi32>
            %add3A_608 = arith.addi %iota3A, %add3A_607 : vector<16xi32>
            %and3A_609 = arith.constant 15 : i32
            %and3A_610 = vector.broadcast %and3A_609 : i32 to vector<16xi32>
            %and3A_611 = arith.andi %add3A_608, %and3A_610 : vector<16xi32>
            %add3A_612 = vector.broadcast %mul3A_562 : i32 to vector<16xi32>
            %add3A_613 = arith.addi %add3A_612, %and3A_611 : vector<16xi32>
            %gather3A_614 = tpu.vector_load_idx %arg7[%add3A_553, %add3A_613] : memref<128x64xf32, #tpu.memory_space<vmem>>[vector<16xi32>, vector<16xi32>], vector<16xf32>,
            %mul3A_615 = arith.constant 8.000000e+00 : f32
            %mul3A_616 = vector.broadcast %mul3A_615 : f32 to vector<16xf32>
            %mul3A_617 = arith.mulf %gather3A_614, %mul3A_616 : vector<16xf32>
            tpu.vector_store_idx %arg9[%add3A_613, %add3A_553], %mul3A_617 : memref<64x128xf32, #tpu.memory_space<vmem>>[vector<16xi32>, vector<16xi32>], vector<16xf32>,
          }
          %scan3A_568 = arith.constant 16 : i32
        }
        %scan3A_559 = arith.constant 4 : i32
      }
      %scan3A_282 = arith.constant 8 : i32
      %dma_start3A_283 = arith.constant 0 : i32
      %dma_start3A_284 = arith.constant 0 : i32
      %dma_start3A_285 = arith.constant 0 : i32
      %dma_start3A_286 = tpu.memref_slice %arg9[%dma_start3A_284, %dma_start3A_285] : memref<64x128xf32, #tpu.memory_space<vmem>> -> memref<8x128xf32, #tpu.memory_space<vmem>>
      %dma_start3A_287 = arith.constant 0 : i32
      %dma_start3A_288 = arith.constant 0 : i32
      %dma_start3A_289 = tpu.memref_slice %arg4[%mul3A_265, %dma_start3A_283, %add3A, %dma_start3A_287, %dma_start3A_288] : memref<50x8x32x8x128xf32, #tpu.memory_space<hbm>> -> memref<1x1x1x8x128xf32, #tpu.memory_space<hbm>>
      %dma_start3A_290 = tpu.memref_squeeze %dma_start3A_289 : memref<1x1x1x8x128xf32, #tpu.memory_space<hbm>> -> memref<8x128xf32, #tpu.memory_space<hbm>>
      %dma_start3A_291 = arith.constant 0 : i32
      %dma_start3A_292 = arith.constant 0 : i32
      %dma_start3A_293 = tpu.memref_slice %arg4[%mul3A_265, %dma_start3A_283, %add3A, %dma_start3A_291, %dma_start3A_292] : memref<50x8x32x8x128xf32, #tpu.memory_space<hbm>> -> memref<1x1x1x8x128xf32, #tpu.memory_space<hbm>>
      %dma_start3A_294 = tpu.memref_squeeze %dma_start3A_293 : memref<1x1x1x8x128xf32, #tpu.memory_space<hbm>> -> memref<8x128xf32, #tpu.memory_space<hbm>>
      %dma_start3A_295 = arith.constant 0 : i32
      %dma_start3A_296 = arith.constant 0 : i32
      %dma_start3A_297 = tpu.memref_slice %arg9[%dma_start3A_295, %dma_start3A_296] : memref<64x128xf32, #tpu.memory_space<vmem>> -> memref<8x128xf32, #tpu.memory_space<vmem>>
      tpu.enqueue_dma source(%dma_start3A_297 : memref<8x128xf32, #tpu.memory_space<vmem>>) target(%dma_start3A_294 : memref<8x128xf32, #tpu.memory_space<hbm>>) target_semaphore(%arg13 : memref<!tpu.dma_semaphore, #tpu.memory_space<semaphore_mem>>)
      %dma_start3A_298 = arith.constant 1 : i32
      %dma_start3A_299 = arith.constant 8 : i32
      %dma_start3A_300 = arith.constant 0 : i32
      %dma_start3A_301 = tpu.memref_slice %arg9[%dma_start3A_299, %dma_start3A_300] : memref<64x128xf32, #tpu.memory_space<vmem>> -> memref<8x128xf32, #tpu.memory_space<vmem>>
      %dma_start3A_302 = arith.constant 0 : i32
      %dma_start3A_303 = arith.constant 0 : i32
      %dma_start3A_304 = tpu.memref_slice %arg4[%mul3A_265, %dma_start3A_298, %add3A, %dma_start3A_302, %dma_start3A_303] : memref<50x8x32x8x128xf32, #tpu.memory_space<hbm>> -> memref<1x1x1x8x128xf32, #tpu.memory_space<hbm>>
      %dma_start3A_305 = tpu.memref_squeeze %dma_start3A_304 : memref<1x1x1x8x128xf32, #tpu.memory_space<hbm>> -> memref<8x128xf32, #tpu.memory_space<hbm>>
      %dma_start3A_306 = arith.constant 0 : i32
      %dma_start3A_307 = arith.constant 0 : i32
      %dma_start3A_308 = tpu.memref_slice %arg4[%mul3A_265, %dma_start3A_298, %add3A, %dma_start3A_306, %dma_start3A_307] : memref<50x8x32x8x128xf32, #tpu.memory_space<hbm>> -> memref<1x1x1x8x128xf32, #tpu.memory_space<hbm>>
      %dma_start3A_309 = tpu.memref_squeeze %dma_start3A_308 : memref<1x1x1x8x128xf32, #tpu.memory_space<hbm>> -> memref<8x128xf32, #tpu.memory_space<hbm>>
      %dma_start3A_310 = arith.constant 8 : i32
      %dma_start3A_311 = arith.constant 0 : i32
      %dma_start3A_312 = tpu.memref_slice %arg9[%dma_start3A_310, %dma_start3A_311] : memref<64x128xf32, #tpu.memory_space<vmem>> -> memref<8x128xf32, #tpu.memory_space<vmem>>
      tpu.enqueue_dma source(%dma_start3A_312 : memref<8x128xf32, #tpu.memory_space<vmem>>) target(%dma_start3A_309 : memref<8x128xf32, #tpu.memory_space<hbm>>) target_semaphore(%arg13 : memref<!tpu.dma_semaphore, #tpu.memory_space<semaphore_mem>>)
      %dma_start3A_313 = arith.constant 2 : i32
      %dma_start3A_314 = arith.constant 16 : i32
      %dma_start3A_315 = arith.constant 0 : i32
      %dma_start3A_316 = tpu.memref_slice %arg9[%dma_start3A_314, %dma_start3A_315] : memref<64x128xf32, #tpu.memory_space<vmem>> -> memref<8x128xf32, #tpu.memory_space<vmem>>
      %dma_start3A_317 = arith.constant 0 : i32
      %dma_start3A_318 = arith.constant 0 : i32
      %dma_start3A_319 = tpu.memref_slice %arg4[%mul3A_265, %dma_start3A_313, %add3A, %dma_start3A_317, %dma_start3A_318] : memref<50x8x32x8x128xf32, #tpu.memory_space<hbm>> -> memref<1x1x1x8x128xf32, #tpu.memory_space<hbm>>
      %dma_start3A_320 = tpu.memref_squeeze %dma_start3A_319 : memref<1x1x1x8x128xf32, #tpu.memory_space<hbm>> -> memref<8x128xf32, #tpu.memory_space<hbm>>
      %dma_start3A_321 = arith.constant 0 : i32
      %dma_start3A_322 = arith.constant 0 : i32
      %dma_start3A_323 = tpu.memref_slice %arg4[%mul3A_265, %dma_start3A_313, %add3A, %dma_start3A_321, %dma_start3A_322] : memref<50x8x32x8x128xf32, #tpu.memory_space<hbm>> -> memref<1x1x1x8x128xf32, #tpu.memory_space<hbm>>
      %dma_start3A_324 = tpu.memref_squeeze %dma_start3A_323 : memref<1x1x1x8x128xf32, #tpu.memory_space<hbm>> -> memref<8x128xf32, #tpu.memory_space<hbm>>
      %dma_start3A_325 = arith.constant 16 : i32
      %dma_start3A_326 = arith.constant 0 : i32
      %dma_start3A_327 = tpu.memref_slice %arg9[%dma_start3A_325, %dma_start3A_326] : memref<64x128xf32, #tpu.memory_space<vmem>> -> memref<8x128xf32, #tpu.memory_space<vmem>>
      tpu.enqueue_dma source(%dma_start3A_327 : memref<8x128xf32, #tpu.memory_space<vmem>>) target(%dma_start3A_324 : memref<8x128xf32, #tpu.memory_space<hbm>>) target_semaphore(%arg13 : memref<!tpu.dma_semaphore, #tpu.memory_space<semaphore_mem>>)
      %dma_start3A_328 = arith.constant 3 : i32
      %dma_start3A_329 = arith.constant 24 : i32
      %dma_start3A_330 = arith.constant 0 : i32
      %dma_start3A_331 = tpu.memref_slice %arg9[%dma_start3A_329, %dma_start3A_330] : memref<64x128xf32, #tpu.memory_space<vmem>> -> memref<8x128xf32, #tpu.memory_space<vmem>>
      %dma_start3A_332 = arith.constant 0 : i32
      %dma_start3A_333 = arith.constant 0 : i32
      %dma_start3A_334 = tpu.memref_slice %arg4[%mul3A_265, %dma_start3A_328, %add3A, %dma_start3A_332, %dma_start3A_333] : memref<50x8x32x8x128xf32, #tpu.memory_space<hbm>> -> memref<1x1x1x8x128xf32, #tpu.memory_space<hbm>>
      %dma_start3A_335 = tpu.memref_squeeze %dma_start3A_334 : memref<1x1x1x8x128xf32, #tpu.memory_space<hbm>> -> memref<8x128xf32, #tpu.memory_space<hbm>>
      %dma_start3A_336 = arith.constant 0 : i32
      %dma_start3A_337 = arith.constant 0 : i32
      %dma_start3A_338 = tpu.memref_slice %arg4[%mul3A_265, %dma_start3A_328, %add3A, %dma_start3A_336, %dma_start3A_337] : memref<50x8x32x8x128xf32, #tpu.memory_space<hbm>> -> memref<1x1x1x8x128xf32, #tpu.memory_space<hbm>>
      %dma_start3A_339 = tpu.memref_squeeze %dma_start3A_338 : memref<1x1x1x8x128xf32, #tpu.memory_space<hbm>> -> memref<8x128xf32, #tpu.memory_space<hbm>>
      %dma_start3A_340 = arith.constant 24 : i32
      %dma_start3A_341 = arith.constant 0 : i32
      %dma_start3A_342 = tpu.memref_slice %arg9[%dma_start3A_340, %dma_start3A_341] : memref<64x128xf32, #tpu.memory_space<vmem>> -> memref<8x128xf32, #tpu.memory_space<vmem>>
      tpu.enqueue_dma source(%dma_start3A_342 : memref<8x128xf32, #tpu.memory_space<vmem>>) target(%dma_start3A_339 : memref<8x128xf32, #tpu.memory_space<hbm>>) target_semaphore(%arg13 : memref<!tpu.dma_semaphore, #tpu.memory_space<semaphore_mem>>)
      %dma_start3A_343 = arith.constant 4 : i32
      %dma_start3A_344 = arith.constant 32 : i32
      %dma_start3A_345 = arith.constant 0 : i32
      %dma_start3A_346 = tpu.memref_slice %arg9[%dma_start3A_344, %dma_start3A_345] : memref<64x128xf32, #tpu.memory_space<vmem>> -> memref<8x128xf32, #tpu.memory_space<vmem>>
      %dma_start3A_347 = arith.constant 0 : i32
      %dma_start3A_348 = arith.constant 0 : i32
      %dma_start3A_349 = tpu.memref_slice %arg4[%mul3A_265, %dma_start3A_343, %add3A, %dma_start3A_347, %dma_start3A_348] : memref<50x8x32x8x128xf32, #tpu.memory_space<hbm>> -> memref<1x1x1x8x128xf32, #tpu.memory_space<hbm>>
      %dma_start3A_350 = tpu.memref_squeeze %dma_start3A_349 : memref<1x1x1x8x128xf32, #tpu.memory_space<hbm>> -> memref<8x128xf32, #tpu.memory_space<hbm>>
      %dma_start3A_351 = arith.constant 0 : i32
      %dma_start3A_352 = arith.constant 0 : i32
      %dma_start3A_353 = tpu.memref_slice %arg4[%mul3A_265, %dma_start3A_343, %add3A, %dma_start3A_351, %dma_start3A_352] : memref<50x8x32x8x128xf32, #tpu.memory_space<hbm>> -> memref<1x1x1x8x128xf32, #tpu.memory_space<hbm>>
      %dma_start3A_354 = tpu.memref_squeeze %dma_start3A_353 : memref<1x1x1x8x128xf32, #tpu.memory_space<hbm>> -> memref<8x128xf32, #tpu.memory_space<hbm>>
      %dma_start3A_355 = arith.constant 32 : i32
      %dma_start3A_356 = arith.constant 0 : i32
      %dma_start3A_357 = tpu.memref_slice %arg9[%dma_start3A_355, %dma_start3A_356] : memref<64x128xf32, #tpu.memory_space<vmem>> -> memref<8x128xf32, #tpu.memory_space<vmem>>
      tpu.enqueue_dma source(%dma_start3A_357 : memref<8x128xf32, #tpu.memory_space<vmem>>) target(%dma_start3A_354 : memref<8x128xf32, #tpu.memory_space<hbm>>) target_semaphore(%arg13 : memref<!tpu.dma_semaphore, #tpu.memory_space<semaphore_mem>>)
      %dma_start3A_358 = arith.constant 5 : i32
      %dma_start3A_359 = arith.constant 40 : i32
      %dma_start3A_360 = arith.constant 0 : i32
      %dma_start3A_361 = tpu.memref_slice %arg9[%dma_start3A_359, %dma_start3A_360] : memref<64x128xf32, #tpu.memory_space<vmem>> -> memref<8x128xf32, #tpu.memory_space<vmem>>
      %dma_start3A_362 = arith.constant 0 : i32
      %dma_start3A_363 = arith.constant 0 : i32
      %dma_start3A_364 = tpu.memref_slice %arg4[%mul3A_265, %dma_start3A_358, %add3A, %dma_start3A_362, %dma_start3A_363] : memref<50x8x32x8x128xf32, #tpu.memory_space<hbm>> -> memref<1x1x1x8x128xf32, #tpu.memory_space<hbm>>
      %dma_start3A_365 = tpu.memref_squeeze %dma_start3A_364 : memref<1x1x1x8x128xf32, #tpu.memory_space<hbm>> -> memref<8x128xf32, #tpu.memory_space<hbm>>
      %dma_start3A_366 = arith.constant 0 : i32
      %dma_start3A_367 = arith.constant 0 : i32
      %dma_start3A_368 = tpu.memref_slice %arg4[%mul3A_265, %dma_start3A_358, %add3A, %dma_start3A_366, %dma_start3A_367] : memref<50x8x32x8x128xf32, #tpu.memory_space<hbm>> -> memref<1x1x1x8x128xf32, #tpu.memory_space<hbm>>
      %dma_start3A_369 = tpu.memref_squeeze %dma_start3A_368 : memref<1x1x1x8x128xf32, #tpu.memory_space<hbm>> -> memref<8x128xf32, #tpu.memory_space<hbm>>
      %dma_start3A_370 = arith.constant 40 : i32
      %dma_start3A_371 = arith.constant 0 : i32
      %dma_start3A_372 = tpu.memref_slice %arg9[%dma_start3A_370, %dma_start3A_371] : memref<64x128xf32, #tpu.memory_space<vmem>> -> memref<8x128xf32, #tpu.memory_space<vmem>>
      tpu.enqueue_dma source(%dma_start3A_372 : memref<8x128xf32, #tpu.memory_space<vmem>>) target(%dma_start3A_369 : memref<8x128xf32, #tpu.memory_space<hbm>>) target_semaphore(%arg13 : memref<!tpu.dma_semaphore, #tpu.memory_space<semaphore_mem>>)
      %dma_start3A_373 = arith.constant 6 : i32
      %dma_start3A_374 = arith.constant 48 : i32
      %dma_start3A_375 = arith.constant 0 : i32
      %dma_start3A_376 = tpu.memref_slice %arg9[%dma_start3A_374, %dma_start3A_375] : memref<64x128xf32, #tpu.memory_space<vmem>> -> memref<8x128xf32, #tpu.memory_space<vmem>>
      %dma_start3A_377 = arith.constant 0 : i32
      %dma_start3A_378 = arith.constant 0 : i32
      %dma_start3A_379 = tpu.memref_slice %arg4[%mul3A_265, %dma_start3A_373, %add3A, %dma_start3A_377, %dma_start3A_378] : memref<50x8x32x8x128xf32, #tpu.memory_space<hbm>> -> memref<1x1x1x8x128xf32, #tpu.memory_space<hbm>>
      %dma_start3A_380 = tpu.memref_squeeze %dma_start3A_379 : memref<1x1x1x8x128xf32, #tpu.memory_space<hbm>> -> memref<8x128xf32, #tpu.memory_space<hbm>>
      %dma_start3A_381 = arith.constant 0 : i32
      %dma_start3A_382 = arith.constant 0 : i32
      %dma_start3A_383 = tpu.memref_slice %arg4[%mul3A_265, %dma_start3A_373, %add3A, %dma_start3A_381, %dma_start3A_382] : memref<50x8x32x8x128xf32, #tpu.memory_space<hbm>> -> memref<1x1x1x8x128xf32, #tpu.memory_space<hbm>>
      %dma_start3A_384 = tpu.memref_squeeze %dma_start3A_383 : memref<1x1x1x8x128xf32, #tpu.memory_space<hbm>> -> memref<8x128xf32, #tpu.memory_space<hbm>>
      %dma_start3A_385 = arith.constant 48 : i32
      %dma_start3A_386 = arith.constant 0 : i32
      %dma_start3A_387 = tpu.memref_slice %arg9[%dma_start3A_385, %dma_start3A_386] : memref<64x128xf32, #tpu.memory_space<vmem>> -> memref<8x128xf32, #tpu.memory_space<vmem>>
      tpu.enqueue_dma source(%dma_start3A_387 : memref<8x128xf32, #tpu.memory_space<vmem>>) target(%dma_start3A_384 : memref<8x128xf32, #tpu.memory_space<hbm>>) target_semaphore(%arg13 : memref<!tpu.dma_semaphore, #tpu.memory_space<semaphore_mem>>)
      %dma_start3A_388 = arith.constant 7 : i32
      %dma_start3A_389 = arith.constant 56 : i32
      %dma_start3A_390 = arith.constant 0 : i32
      %dma_start3A_391 = tpu.memref_slice %arg9[%dma_start3A_389, %dma_start3A_390] : memref<64x128xf32, #tpu.memory_space<vmem>> -> memref<8x128xf32, #tpu.memory_space<vmem>>
      %dma_start3A_392 = arith.constant 0 : i32
      %dma_start3A_393 = arith.constant 0 : i32
      %dma_start3A_394 = tpu.memref_slice %arg4[%mul3A_265, %dma_start3A_388, %add3A, %dma_start3A_392, %dma_start3A_393] : memref<50x8x32x8x128xf32, #tpu.memory_space<hbm>> -> memref<1x1x1x8x128xf32, #tpu.memory_space<hbm>>
      %dma_start3A_395 = tpu.memref_squeeze %dma_start3A_394 : memref<1x1x1x8x128xf32, #tpu.memory_space<hbm>> -> memref<8x128xf32, #tpu.memory_space<hbm>>
      %dma_start3A_396 = arith.constant 0 : i32
      %dma_start3A_397 = arith.constant 0 : i32
      %dma_start3A_398 = tpu.memref_slice %arg4[%mul3A_265, %dma_start3A_388, %add3A, %dma_start3A_396, %dma_start3A_397] : memref<50x8x32x8x128xf32, #tpu.memory_space<hbm>> -> memref<1x1x1x8x128xf32, #tpu.memory_space<hbm>>
      %dma_start3A_399 = tpu.memref_squeeze %dma_start3A_398 : memref<1x1x1x8x128xf32, #tpu.memory_space<hbm>> -> memref<8x128xf32, #tpu.memory_space<hbm>>
      %dma_start3A_400 = arith.constant 56 : i32
      %dma_start3A_401 = arith.constant 0 : i32
      %dma_start3A_402 = tpu.memref_slice %arg9[%dma_start3A_400, %dma_start3A_401] : memref<64x128xf32, #tpu.memory_space<vmem>> -> memref<8x128xf32, #tpu.memory_space<vmem>>
      tpu.enqueue_dma source(%dma_start3A_402 : memref<8x128xf32, #tpu.memory_space<vmem>>) target(%dma_start3A_399 : memref<8x128xf32, #tpu.memory_space<hbm>>) target_semaphore(%arg13 : memref<!tpu.dma_semaphore, #tpu.memory_space<semaphore_mem>>)
      %mul3A_403 = arith.constant 2 : i32
      %mul3A_404 = arith.muli %mul3A_403, %scan3A_263 : i32
      %add3A_405 = arith.constant 1 : i32
      %add3A_406 = arith.addi %mul3A_404, %add3A_405 : i32
      %add3A_407 = arith.constant 1 : i32
      %add3A_408 = arith.addi %add3A_406, %add3A_407 : i32
      %lt3A_409 = arith.constant 50 : i32
      %lt3A_410 = arith.cmpi slt, %add3A_408, %lt3A_409 : i32
      %convert_element_type3A_411 = arith.extui %lt3A_410 : i1 to i32
      %cond3A_412 = arith.constant 0 : i32
      %cond3A_413 = arith.cmpi ne, %convert_element_type3A_411, %cond3A_412 : i32
      scf.if %cond3A_413 {
        %add3A_549 = arith.constant 1 : i32
        %add3A_550 = arith.addi %add3A_406, %add3A_549 : i32
        "tpu.region"() ({
          %run_scoped3A_554 = tpu.sem_alloc : memref<!tpu.dma_semaphore, #tpu.memory_space<semaphore_mem>>
          %dma_start3A_555 = arith.constant 0 : i32
          %dma_start3A_556 = tpu.memref_slice %arg2[%add3A_550, %add3A, %dma_start3A_555] : memref<50x32x128xi32, #tpu.memory_space<hbm>> -> memref<1x1x128xi32, #tpu.memory_space<hbm>>
          %dma_start3A_557 = tpu.memref_squeeze %dma_start3A_556 : memref<1x1x128xi32, #tpu.memory_space<hbm>> -> memref<128xi32, #tpu.memory_space<hbm>>
          %dma_start3A_558 = arith.constant 0 : i32
          %dma_start3A_559 = tpu.memref_slice %arg2[%add3A_550, %add3A, %dma_start3A_558] : memref<50x32x128xi32, #tpu.memory_space<hbm>> -> memref<1x1x128xi32, #tpu.memory_space<hbm>>
          %dma_start3A_560 = tpu.memref_squeeze %dma_start3A_559 : memref<1x1x128xi32, #tpu.memory_space<hbm>> -> memref<128xi32, #tpu.memory_space<hbm>>
          tpu.enqueue_dma source(%dma_start3A_560 : memref<128xi32, #tpu.memory_space<hbm>>) target(%arg5 : memref<128xi32, #tpu.memory_space<vmem>>) target_semaphore(%run_scoped3A_554 : memref<!tpu.dma_semaphore, #tpu.memory_space<semaphore_mem>>)
          %dma_wait3A_561 = arith.constant 0 : i32
          %dma_wait3A_562 = tpu.memref_slice %arg2[%add3A_550, %add3A, %dma_wait3A_561] : memref<50x32x128xi32, #tpu.memory_space<hbm>> -> memref<1x1x128xi32, #tpu.memory_space<hbm>>
          %dma_wait3A_563 = tpu.memref_squeeze %dma_wait3A_562 : memref<1x1x128xi32, #tpu.memory_space<hbm>> -> memref<128xi32, #tpu.memory_space<hbm>>
          %dma_wait3A_564 = arith.constant 0 : i32
          %dma_wait3A_565 = tpu.memref_slice %arg2[%add3A_550, %add3A, %dma_wait3A_564] : memref<50x32x128xi32, #tpu.memory_space<hbm>> -> memref<1x1x128xi32, #tpu.memory_space<hbm>>
          %dma_wait3A_566 = tpu.memref_squeeze %dma_wait3A_565 : memref<1x1x128xi32, #tpu.memory_space<hbm>> -> memref<128xi32, #tpu.memory_space<hbm>>
          tpu.wait_dma2 semaphore(%run_scoped3A_554 : memref<!tpu.dma_semaphore, #tpu.memory_space<semaphore_mem>>) src(%dma_wait3A_566 : memref<128xi32, #tpu.memory_space<hbm>>) dst(%arg5 : memref<128xi32, #tpu.memory_space<vmem>>)
          tpu.yield
        }) : () -> ()
        %dma_start3A_551 = arith.constant 0 : i32
        %dma_start3A_552 = arith.constant 0 : i32
        %dma_start3A_553 = tpu.memref_slice %arg3[%dma_start3A_551, %dma_start3A_552] : memref<1000000x64xf32, #tpu.memory_space<hbm>> -> memref<1000000x64xf32, #tpu.memory_space<hbm>>
        tpu.enqueue_indirect_dma source(%dma_start3A_553 : memref<1000000x64xf32, #tpu.memory_space<hbm>>) target(%arg7 : memref<128x64xf32, #tpu.memory_space<vmem>>) offsets(%arg5 : memref<128xi32, #tpu.memory_space<vmem>>) semaphore(%arg11 : memref<!tpu.dma_semaphore, #tpu.memory_space<semaphore_mem>>)
      } else {
      }
      %dma_wait3A_414 = arith.constant 0 : i32
      %dma_wait3A_415 = arith.constant 0 : i32
      %dma_wait3A_416 = tpu.memref_slice %arg3[%dma_wait3A_414, %dma_wait3A_415] : memref<1000000x64xf32, #tpu.memory_space<hbm>> -> memref<1000000x64xf32, #tpu.memory_space<hbm>>
      tpu.wait_indirect_dma semaphore(%arg12 : memref<!tpu.dma_semaphore, #tpu.memory_space<semaphore_mem>>) src(%dma_wait3A_416 : memref<1000000x64xf32, #tpu.memory_space<hbm>>) dst(%arg8 : memref<128x64xf32, #tpu.memory_space<vmem>>)
      %gt3A_417 = arith.constant 0 : i32
      %gt3A_418 = arith.cmpi sgt, %scan3A_263, %gt3A_417 : i32
      %convert_element_type3A_419 = arith.extui %gt3A_418 : i1 to i32
      %cond3A_420 = arith.constant 0 : i32
      %cond3A_421 = arith.cmpi ne, %convert_element_type3A_419, %cond3A_420 : i32
      scf.if %cond3A_421 {
        %dma_wait3A_549 = arith.constant 0 : i32
        %dma_wait3A_550 = arith.constant 0 : i32
        %dma_wait3A_551 = arith.constant 0 : i32
        %dma_wait3A_552 = tpu.memref_slice %arg10[%dma_wait3A_550, %dma_wait3A_551] : memref<64x128xf32, #tpu.memory_space<vmem>> -> memref<8x128xf32, #tpu.memory_space<vmem>>
        %dma_wait3A_553 = arith.constant 0 : i32
        %dma_wait3A_554 = arith.constant 0 : i32
        %dma_wait3A_555 = tpu.memref_slice %arg4[%add3A_406, %dma_wait3A_549, %add3A, %dma_wait3A_553, %dma_wait3A_554] : memref<50x8x32x8x128xf32, #tpu.memory_space<hbm>> -> memref<1x1x1x8x128xf32, #tpu.memory_space<hbm>>
        %dma_wait3A_556 = tpu.memref_squeeze %dma_wait3A_555 : memref<1x1x1x8x128xf32, #tpu.memory_space<hbm>> -> memref<8x128xf32, #tpu.memory_space<hbm>>
        %dma_wait3A_557 = arith.constant 0 : i32
        %dma_wait3A_558 = arith.constant 0 : i32
        %dma_wait3A_559 = tpu.memref_slice %arg4[%add3A_406, %dma_wait3A_549, %add3A, %dma_wait3A_557, %dma_wait3A_558] : memref<50x8x32x8x128xf32, #tpu.memory_space<hbm>> -> memref<1x1x1x8x128xf32, #tpu.memory_space<hbm>>
        %dma_wait3A_560 = tpu.memref_squeeze %dma_wait3A_559 : memref<1x1x1x8x128xf32, #tpu.memory_space<hbm>> -> memref<8x128xf32, #tpu.memory_space<hbm>>
        %dma_wait3A_561 = arith.constant 0 : i32
        %dma_wait3A_562 = arith.constant 0 : i32
        %dma_wait3A_563 = tpu.memref_slice %arg10[%dma_wait3A_561, %dma_wait3A_562] : memref<64x128xf32, #tpu.memory_space<vmem>> -> memref<8x128xf32, #tpu.memory_space<vmem>>
        tpu.wait_dma2 semaphore(%arg14 : memref<!tpu.dma_semaphore, #tpu.memory_space<semaphore_mem>>) src(%dma_wait3A_563 : memref<8x128xf32, #tpu.memory_space<vmem>>) dst(%dma_wait3A_560 : memref<8x128xf32, #tpu.memory_space<hbm>>)
        %dma_wait3A_564 = arith.constant 1 : i32
        %dma_wait3A_565 = arith.constant 8 : i32
        %dma_wait3A_566 = arith.constant 0 : i32
        %dma_wait3A_567 = tpu.memref_slice %arg10[%dma_wait3A_565, %dma_wait3A_566] : memref<64x128xf32, #tpu.memory_space<vmem>> -> memref<8x128xf32, #tpu.memory_space<vmem>>
        %dma_wait3A_568 = arith.constant 0 : i32
        %dma_wait3A_569 = arith.constant 0 : i32
        %dma_wait3A_570 = tpu.memref_slice %arg4[%add3A_406, %dma_wait3A_564, %add3A, %dma_wait3A_568, %dma_wait3A_569] : memref<50x8x32x8x128xf32, #tpu.memory_space<hbm>> -> memref<1x1x1x8x128xf32, #tpu.memory_space<hbm>>
        %dma_wait3A_571 = tpu.memref_squeeze %dma_wait3A_570 : memref<1x1x1x8x128xf32, #tpu.memory_space<hbm>> -> memref<8x128xf32, #tpu.memory_space<hbm>>
        %dma_wait3A_572 = arith.constant 0 : i32
        %dma_wait3A_573 = arith.constant 0 : i32
        %dma_wait3A_574 = tpu.memref_slice %arg4[%add3A_406, %dma_wait3A_564, %add3A, %dma_wait3A_572, %dma_wait3A_573] : memref<50x8x32x8x128xf32, #tpu.memory_space<hbm>> -> memref<1x1x1x8x128xf32, #tpu.memory_space<hbm>>
        %dma_wait3A_575 = tpu.memref_squeeze %dma_wait3A_574 : memref<1x1x1x8x128xf32, #tpu.memory_space<hbm>> -> memref<8x128xf32, #tpu.memory_space<hbm>>
        %dma_wait3A_576 = arith.constant 8 : i32
        %dma_wait3A_577 = arith.constant 0 : i32
        %dma_wait3A_578 = tpu.memref_slice %arg10[%dma_wait3A_576, %dma_wait3A_577] : memref<64x128xf32, #tpu.memory_space<vmem>> -> memref<8x128xf32, #tpu.memory_space<vmem>>
        tpu.wait_dma2 semaphore(%arg14 : memref<!tpu.dma_semaphore, #tpu.memory_space<semaphore_mem>>) src(%dma_wait3A_578 : memref<8x128xf32, #tpu.memory_space<vmem>>) dst(%dma_wait3A_575 : memref<8x128xf32, #tpu.memory_space<hbm>>)
        %dma_wait3A_579 = arith.constant 2 : i32
        %dma_wait3A_580 = arith.constant 16 : i32
        %dma_wait3A_581 = arith.constant 0 : i32
        %dma_wait3A_582 = tpu.memref_slice %arg10[%dma_wait3A_580, %dma_wait3A_581] : memref<64x128xf32, #tpu.memory_space<vmem>> -> memref<8x128xf32, #tpu.memory_space<vmem>>
        %dma_wait3A_583 = arith.constant 0 : i32
        %dma_wait3A_584 = arith.constant 0 : i32
        %dma_wait3A_585 = tpu.memref_slice %arg4[%add3A_406, %dma_wait3A_579, %add3A, %dma_wait3A_583, %dma_wait3A_584] : memref<50x8x32x8x128xf32, #tpu.memory_space<hbm>> -> memref<1x1x1x8x128xf32, #tpu.memory_space<hbm>>
        %dma_wait3A_586 = tpu.memref_squeeze %dma_wait3A_585 : memref<1x1x1x8x128xf32, #tpu.memory_space<hbm>> -> memref<8x128xf32, #tpu.memory_space<hbm>>
        %dma_wait3A_587 = arith.constant 0 : i32
        %dma_wait3A_588 = arith.constant 0 : i32
        %dma_wait3A_589 = tpu.memref_slice %arg4[%add3A_406, %dma_wait3A_579, %add3A, %dma_wait3A_587, %dma_wait3A_588] : memref<50x8x32x8x128xf32, #tpu.memory_space<hbm>> -> memref<1x1x1x8x128xf32, #tpu.memory_space<hbm>>
        %dma_wait3A_590 = tpu.memref_squeeze %dma_wait3A_589 : memref<1x1x1x8x128xf32, #tpu.memory_space<hbm>> -> memref<8x128xf32, #tpu.memory_space<hbm>>
        %dma_wait3A_591 = arith.constant 16 : i32
        %dma_wait3A_592 = arith.constant 0 : i32
        %dma_wait3A_593 = tpu.memref_slice %arg10[%dma_wait3A_591, %dma_wait3A_592] : memref<64x128xf32, #tpu.memory_space<vmem>> -> memref<8x128xf32, #tpu.memory_space<vmem>>
        tpu.wait_dma2 semaphore(%arg14 : memref<!tpu.dma_semaphore, #tpu.memory_space<semaphore_mem>>) src(%dma_wait3A_593 : memref<8x128xf32, #tpu.memory_space<vmem>>) dst(%dma_wait3A_590 : memref<8x128xf32, #tpu.memory_space<hbm>>)
        %dma_wait3A_594 = arith.constant 3 : i32
        %dma_wait3A_595 = arith.constant 24 : i32
        %dma_wait3A_596 = arith.constant 0 : i32
        %dma_wait3A_597 = tpu.memref_slice %arg10[%dma_wait3A_595, %dma_wait3A_596] : memref<64x128xf32, #tpu.memory_space<vmem>> -> memref<8x128xf32, #tpu.memory_space<vmem>>
        %dma_wait3A_598 = arith.constant 0 : i32
        %dma_wait3A_599 = arith.constant 0 : i32
        %dma_wait3A_600 = tpu.memref_slice %arg4[%add3A_406, %dma_wait3A_594, %add3A, %dma_wait3A_598, %dma_wait3A_599] : memref<50x8x32x8x128xf32, #tpu.memory_space<hbm>> -> memref<1x1x1x8x128xf32, #tpu.memory_space<hbm>>
        %dma_wait3A_601 = tpu.memref_squeeze %dma_wait3A_600 : memref<1x1x1x8x128xf32, #tpu.memory_space<hbm>> -> memref<8x128xf32, #tpu.memory_space<hbm>>
        %dma_wait3A_602 = arith.constant 0 : i32
        %dma_wait3A_603 = arith.constant 0 : i32
        %dma_wait3A_604 = tpu.memref_slice %arg4[%add3A_406, %dma_wait3A_594, %add3A, %dma_wait3A_602, %dma_wait3A_603] : memref<50x8x32x8x128xf32, #tpu.memory_space<hbm>> -> memref<1x1x1x8x128xf32, #tpu.memory_space<hbm>>
        %dma_wait3A_605 = tpu.memref_squeeze %dma_wait3A_604 : memref<1x1x1x8x128xf32, #tpu.memory_space<hbm>> -> memref<8x128xf32, #tpu.memory_space<hbm>>
        %dma_wait3A_606 = arith.constant 24 : i32
        %dma_wait3A_607 = arith.constant 0 : i32
        %dma_wait3A_608 = tpu.memref_slice %arg10[%dma_wait3A_606, %dma_wait3A_607] : memref<64x128xf32, #tpu.memory_space<vmem>> -> memref<8x128xf32, #tpu.memory_space<vmem>>
        tpu.wait_dma2 semaphore(%arg14 : memref<!tpu.dma_semaphore, #tpu.memory_space<semaphore_mem>>) src(%dma_wait3A_608 : memref<8x128xf32, #tpu.memory_space<vmem>>) dst(%dma_wait3A_605 : memref<8x128xf32, #tpu.memory_space<hbm>>)
        %dma_wait3A_609 = arith.constant 4 : i32
        %dma_wait3A_610 = arith.constant 32 : i32
        %dma_wait3A_611 = arith.constant 0 : i32
        %dma_wait3A_612 = tpu.memref_slice %arg10[%dma_wait3A_610, %dma_wait3A_611] : memref<64x128xf32, #tpu.memory_space<vmem>> -> memref<8x128xf32, #tpu.memory_space<vmem>>
        %dma_wait3A_613 = arith.constant 0 : i32
        %dma_wait3A_614 = arith.constant 0 : i32
        %dma_wait3A_615 = tpu.memref_slice %arg4[%add3A_406, %dma_wait3A_609, %add3A, %dma_wait3A_613, %dma_wait3A_614] : memref<50x8x32x8x128xf32, #tpu.memory_space<hbm>> -> memref<1x1x1x8x128xf32, #tpu.memory_space<hbm>>
        %dma_wait3A_616 = tpu.memref_squeeze %dma_wait3A_615 : memref<1x1x1x8x128xf32, #tpu.memory_space<hbm>> -> memref<8x128xf32, #tpu.memory_space<hbm>>
        %dma_wait3A_617 = arith.constant 0 : i32
        %dma_wait3A_618 = arith.constant 0 : i32
        %dma_wait3A_619 = tpu.memref_slice %arg4[%add3A_406, %dma_wait3A_609, %add3A, %dma_wait3A_617, %dma_wait3A_618] : memref<50x8x32x8x128xf32, #tpu.memory_space<hbm>> -> memref<1x1x1x8x128xf32, #tpu.memory_space<hbm>>
        %dma_wait3A_620 = tpu.memref_squeeze %dma_wait3A_619 : memref<1x1x1x8x128xf32, #tpu.memory_space<hbm>> -> memref<8x128xf32, #tpu.memory_space<hbm>>
        %dma_wait3A_621 = arith.constant 32 : i32
        %dma_wait3A_622 = arith.constant 0 : i32
        %dma_wait3A_623 = tpu.memref_slice %arg10[%dma_wait3A_621, %dma_wait3A_622] : memref<64x128xf32, #tpu.memory_space<vmem>> -> memref<8x128xf32, #tpu.memory_space<vmem>>
        tpu.wait_dma2 semaphore(%arg14 : memref<!tpu.dma_semaphore, #tpu.memory_space<semaphore_mem>>) src(%dma_wait3A_623 : memref<8x128xf32, #tpu.memory_space<vmem>>) dst(%dma_wait3A_620 : memref<8x128xf32, #tpu.memory_space<hbm>>)
        %dma_wait3A_624 = arith.constant 5 : i32
        %dma_wait3A_625 = arith.constant 40 : i32
        %dma_wait3A_626 = arith.constant 0 : i32
        %dma_wait3A_627 = tpu.memref_slice %arg10[%dma_wait3A_625, %dma_wait3A_626] : memref<64x128xf32, #tpu.memory_space<vmem>> -> memref<8x128xf32, #tpu.memory_space<vmem>>
        %dma_wait3A_628 = arith.constant 0 : i32
        %dma_wait3A_629 = arith.constant 0 : i32
        %dma_wait3A_630 = tpu.memref_slice %arg4[%add3A_406, %dma_wait3A_624, %add3A, %dma_wait3A_628, %dma_wait3A_629] : memref<50x8x32x8x128xf32, #tpu.memory_space<hbm>> -> memref<1x1x1x8x128xf32, #tpu.memory_space<hbm>>
        %dma_wait3A_631 = tpu.memref_squeeze %dma_wait3A_630 : memref<1x1x1x8x128xf32, #tpu.memory_space<hbm>> -> memref<8x128xf32, #tpu.memory_space<hbm>>
        %dma_wait3A_632 = arith.constant 0 : i32
        %dma_wait3A_633 = arith.constant 0 : i32
        %dma_wait3A_634 = tpu.memref_slice %arg4[%add3A_406, %dma_wait3A_624, %add3A, %dma_wait3A_632, %dma_wait3A_633] : memref<50x8x32x8x128xf32, #tpu.memory_space<hbm>> -> memref<1x1x1x8x128xf32, #tpu.memory_space<hbm>>
        %dma_wait3A_635 = tpu.memref_squeeze %dma_wait3A_634 : memref<1x1x1x8x128xf32, #tpu.memory_space<hbm>> -> memref<8x128xf32, #tpu.memory_space<hbm>>
        %dma_wait3A_636 = arith.constant 40 : i32
        %dma_wait3A_637 = arith.constant 0 : i32
        %dma_wait3A_638 = tpu.memref_slice %arg10[%dma_wait3A_636, %dma_wait3A_637] : memref<64x128xf32, #tpu.memory_space<vmem>> -> memref<8x128xf32, #tpu.memory_space<vmem>>
        tpu.wait_dma2 semaphore(%arg14 : memref<!tpu.dma_semaphore, #tpu.memory_space<semaphore_mem>>) src(%dma_wait3A_638 : memref<8x128xf32, #tpu.memory_space<vmem>>) dst(%dma_wait3A_635 : memref<8x128xf32, #tpu.memory_space<hbm>>)
        %dma_wait3A_639 = arith.constant 6 : i32
        %dma_wait3A_640 = arith.constant 48 : i32
        %dma_wait3A_641 = arith.constant 0 : i32
        %dma_wait3A_642 = tpu.memref_slice %arg10[%dma_wait3A_640, %dma_wait3A_641] : memref<64x128xf32, #tpu.memory_space<vmem>> -> memref<8x128xf32, #tpu.memory_space<vmem>>
        %dma_wait3A_643 = arith.constant 0 : i32
        %dma_wait3A_644 = arith.constant 0 : i32
        %dma_wait3A_645 = tpu.memref_slice %arg4[%add3A_406, %dma_wait3A_639, %add3A, %dma_wait3A_643, %dma_wait3A_644] : memref<50x8x32x8x128xf32, #tpu.memory_space<hbm>> -> memref<1x1x1x8x128xf32, #tpu.memory_space<hbm>>
        %dma_wait3A_646 = tpu.memref_squeeze %dma_wait3A_645 : memref<1x1x1x8x128xf32, #tpu.memory_space<hbm>> -> memref<8x128xf32, #tpu.memory_space<hbm>>
        %dma_wait3A_647 = arith.constant 0 : i32
        %dma_wait3A_648 = arith.constant 0 : i32
        %dma_wait3A_649 = tpu.memref_slice %arg4[%add3A_406, %dma_wait3A_639, %add3A, %dma_wait3A_647, %dma_wait3A_648] : memref<50x8x32x8x128xf32, #tpu.memory_space<hbm>> -> memref<1x1x1x8x128xf32, #tpu.memory_space<hbm>>
        %dma_wait3A_650 = tpu.memref_squeeze %dma_wait3A_649 : memref<1x1x1x8x128xf32, #tpu.memory_space<hbm>> -> memref<8x128xf32, #tpu.memory_space<hbm>>
        %dma_wait3A_651 = arith.constant 48 : i32
        %dma_wait3A_652 = arith.constant 0 : i32
        %dma_wait3A_653 = tpu.memref_slice %arg10[%dma_wait3A_651, %dma_wait3A_652] : memref<64x128xf32, #tpu.memory_space<vmem>> -> memref<8x128xf32, #tpu.memory_space<vmem>>
        tpu.wait_dma2 semaphore(%arg14 : memref<!tpu.dma_semaphore, #tpu.memory_space<semaphore_mem>>) src(%dma_wait3A_653 : memref<8x128xf32, #tpu.memory_space<vmem>>) dst(%dma_wait3A_650 : memref<8x128xf32, #tpu.memory_space<hbm>>)
        %dma_wait3A_654 = arith.constant 7 : i32
        %dma_wait3A_655 = arith.constant 56 : i32
        %dma_wait3A_656 = arith.constant 0 : i32
        %dma_wait3A_657 = tpu.memref_slice %arg10[%dma_wait3A_655, %dma_wait3A_656] : memref<64x128xf32, #tpu.memory_space<vmem>> -> memref<8x128xf32, #tpu.memory_space<vmem>>
        %dma_wait3A_658 = arith.constant 0 : i32
        %dma_wait3A_659 = arith.constant 0 : i32
        %dma_wait3A_660 = tpu.memref_slice %arg4[%add3A_406, %dma_wait3A_654, %add3A, %dma_wait3A_658, %dma_wait3A_659] : memref<50x8x32x8x128xf32, #tpu.memory_space<hbm>> -> memref<1x1x1x8x128xf32, #tpu.memory_space<hbm>>
        %dma_wait3A_661 = tpu.memref_squeeze %dma_wait3A_660 : memref<1x1x1x8x128xf32, #tpu.memory_space<hbm>> -> memref<8x128xf32, #tpu.memory_space<hbm>>
        %dma_wait3A_662 = arith.constant 0 : i32
        %dma_wait3A_663 = arith.constant 0 : i32
        %dma_wait3A_664 = tpu.memref_slice %arg4[%add3A_406, %dma_wait3A_654, %add3A, %dma_wait3A_662, %dma_wait3A_663] : memref<50x8x32x8x128xf32, #tpu.memory_space<hbm>> -> memref<1x1x1x8x128xf32, #tpu.memory_space<hbm>>
        %dma_wait3A_665 = tpu.memref_squeeze %dma_wait3A_664 : memref<1x1x1x8x128xf32, #tpu.memory_space<hbm>> -> memref<8x128xf32, #tpu.memory_space<hbm>>
        %dma_wait3A_666 = arith.constant 56 : i32
        %dma_wait3A_667 = arith.constant 0 : i32
        %dma_wait3A_668 = tpu.memref_slice %arg10[%dma_wait3A_666, %dma_wait3A_667] : memref<64x128xf32, #tpu.memory_space<vmem>> -> memref<8x128xf32, #tpu.memory_space<vmem>>
        tpu.wait_dma2 semaphore(%arg14 : memref<!tpu.dma_semaphore, #tpu.memory_space<semaphore_mem>>) src(%dma_wait3A_668 : memref<8x128xf32, #tpu.memory_space<vmem>>) dst(%dma_wait3A_665 : memref<8x128xf32, #tpu.memory_space<hbm>>)
      } else {
      }
      %iota3A_422 = tpu.iota {dimensions = array<i32: 0>} : vector<16xi32>
      %scan3A_423 = arith.constant 0 : i32
      %scan3A_424 = arith.constant 0 : i32
      %scan3A_425 = arith.constant 8 : i32
      %scan3A_426 = arith.addi %scan3A_424, %scan3A_425 : i32
      %scan3A_427 = arith.constant 1 : i32
      scf.for %scan3A_549 = %scan3A_424 to %scan3A_426 step %scan3A_427  : i32 {
        %mul3A_550 = arith.constant 16 : i32
        %mul3A_551 = arith.muli %mul3A_550, %scan3A_549 : i32
        %add3A_552 = vector.broadcast %mul3A_551 : i32 to vector<16xi32>
        %add3A_553 = arith.addi %iota3A_422, %add3A_552 : vector<16xi32>
        %scan3A_554 = arith.constant 0 : i32
        %scan3A_555 = arith.constant 0 : i32
        %scan3A_556 = arith.constant 4 : i32
        %scan3A_557 = arith.addi %scan3A_555, %scan3A_556 : i32
        %scan3A_558 = arith.constant 1 : i32
        scf.for %scan3A_560 = %scan3A_555 to %scan3A_557 step %scan3A_558  : i32 {
          %mul3A_561 = arith.constant 16 : i32
          %mul3A_562 = arith.muli %mul3A_561, %scan3A_560 : i32
          %scan3A_563 = arith.constant 0 : i32
          %scan3A_564 = arith.constant 0 : i32
          %scan3A_565 = arith.constant 16 : i32
          %scan3A_566 = arith.addi %scan3A_564, %scan3A_565 : i32
          %scan3A_567 = arith.constant 4 : i32
          scf.for %scan3A_569 = %scan3A_564 to %scan3A_566 step %scan3A_567  : i32 {
            %add3A_570 = vector.broadcast %scan3A_569 : i32 to vector<16xi32>
            %add3A_571 = arith.addi %iota3A_422, %add3A_570 : vector<16xi32>
            %and3A = arith.constant 15 : i32
            %and3A_572 = vector.broadcast %and3A : i32 to vector<16xi32>
            %and3A_573 = arith.andi %add3A_571, %and3A_572 : vector<16xi32>
            %add3A_574 = vector.broadcast %mul3A_562 : i32 to vector<16xi32>
            %add3A_575 = arith.addi %add3A_574, %and3A_573 : vector<16xi32>
            %gather3A = tpu.vector_load_idx %arg8[%add3A_553, %add3A_575] : memref<128x64xf32, #tpu.memory_space<vmem>>[vector<16xi32>, vector<16xi32>], vector<16xf32>,
            %mul3A_576 = arith.constant 8.000000e+00 : f32
            %mul3A_577 = vector.broadcast %mul3A_576 : f32 to vector<16xf32>
            %mul3A_578 = arith.mulf %gather3A, %mul3A_577 : vector<16xf32>
            tpu.vector_store_idx %arg10[%add3A_575, %add3A_553], %mul3A_578 : memref<64x128xf32, #tpu.memory_space<vmem>>[vector<16xi32>, vector<16xi32>], vector<16xf32>,
            %scan3A_579 = arith.constant 1 : i32
            %scan3A_580 = arith.addi %scan3A_569, %scan3A_579 : i32
            %add3A_581 = vector.broadcast %scan3A_580 : i32 to vector<16xi32>
            %add3A_582 = arith.addi %iota3A_422, %add3A_581 : vector<16xi32>
            %and3A_583 = arith.constant 15 : i32
            %and3A_584 = vector.broadcast %and3A_583 : i32 to vector<16xi32>
            %and3A_585 = arith.andi %add3A_582, %and3A_584 : vector<16xi32>
            %add3A_586 = vector.broadcast %mul3A_562 : i32 to vector<16xi32>
            %add3A_587 = arith.addi %add3A_586, %and3A_585 : vector<16xi32>
            %gather3A_588 = tpu.vector_load_idx %arg8[%add3A_553, %add3A_587] : memref<128x64xf32, #tpu.memory_space<vmem>>[vector<16xi32>, vector<16xi32>], vector<16xf32>,
            %mul3A_589 = arith.constant 8.000000e+00 : f32
            %mul3A_590 = vector.broadcast %mul3A_589 : f32 to vector<16xf32>
            %mul3A_591 = arith.mulf %gather3A_588, %mul3A_590 : vector<16xf32>
            tpu.vector_store_idx %arg10[%add3A_587, %add3A_553], %mul3A_591 : memref<64x128xf32, #tpu.memory_space<vmem>>[vector<16xi32>, vector<16xi32>], vector<16xf32>,
            %scan3A_592 = arith.constant 2 : i32
            %scan3A_593 = arith.addi %scan3A_569, %scan3A_592 : i32
            %add3A_594 = vector.broadcast %scan3A_593 : i32 to vector<16xi32>
            %add3A_595 = arith.addi %iota3A_422, %add3A_594 : vector<16xi32>
            %and3A_596 = arith.constant 15 : i32
            %and3A_597 = vector.broadcast %and3A_596 : i32 to vector<16xi32>
            %and3A_598 = arith.andi %add3A_595, %and3A_597 : vector<16xi32>
            %add3A_599 = vector.broadcast %mul3A_562 : i32 to vector<16xi32>
            %add3A_600 = arith.addi %add3A_599, %and3A_598 : vector<16xi32>
            %gather3A_601 = tpu.vector_load_idx %arg8[%add3A_553, %add3A_600] : memref<128x64xf32, #tpu.memory_space<vmem>>[vector<16xi32>, vector<16xi32>], vector<16xf32>,
            %mul3A_602 = arith.constant 8.000000e+00 : f32
            %mul3A_603 = vector.broadcast %mul3A_602 : f32 to vector<16xf32>
            %mul3A_604 = arith.mulf %gather3A_601, %mul3A_603 : vector<16xf32>
            tpu.vector_store_idx %arg10[%add3A_600, %add3A_553], %mul3A_604 : memref<64x128xf32, #tpu.memory_space<vmem>>[vector<16xi32>, vector<16xi32>], vector<16xf32>,
            %scan3A_605 = arith.constant 3 : i32
            %scan3A_606 = arith.addi %scan3A_569, %scan3A_605 : i32
            %add3A_607 = vector.broadcast %scan3A_606 : i32 to vector<16xi32>
            %add3A_608 = arith.addi %iota3A_422, %add3A_607 : vector<16xi32>
            %and3A_609 = arith.constant 15 : i32
            %and3A_610 = vector.broadcast %and3A_609 : i32 to vector<16xi32>
            %and3A_611 = arith.andi %add3A_608, %and3A_610 : vector<16xi32>
            %add3A_612 = vector.broadcast %mul3A_562 : i32 to vector<16xi32>
            %add3A_613 = arith.addi %add3A_612, %and3A_611 : vector<16xi32>
            %gather3A_614 = tpu.vector_load_idx %arg8[%add3A_553, %add3A_613] : memref<128x64xf32, #tpu.memory_space<vmem>>[vector<16xi32>, vector<16xi32>], vector<16xf32>,
            %mul3A_615 = arith.constant 8.000000e+00 : f32
            %mul3A_616 = vector.broadcast %mul3A_615 : f32 to vector<16xf32>
            %mul3A_617 = arith.mulf %gather3A_614, %mul3A_616 : vector<16xf32>
            tpu.vector_store_idx %arg10[%add3A_613, %add3A_553], %mul3A_617 : memref<64x128xf32, #tpu.memory_space<vmem>>[vector<16xi32>, vector<16xi32>], vector<16xf32>,
          }
          %scan3A_568 = arith.constant 16 : i32
        }
        %scan3A_559 = arith.constant 4 : i32
      }
      %scan3A_428 = arith.constant 8 : i32
      %dma_start3A_429 = arith.constant 0 : i32
      %dma_start3A_430 = arith.constant 0 : i32
      %dma_start3A_431 = arith.constant 0 : i32
      %dma_start3A_432 = tpu.memref_slice %arg10[%dma_start3A_430, %dma_start3A_431] : memref<64x128xf32, #tpu.memory_space<vmem>> -> memref<8x128xf32, #tpu.memory_space<vmem>>
      %dma_start3A_433 = arith.constant 0 : i32
      %dma_start3A_434 = arith.constant 0 : i32
      %dma_start3A_435 = tpu.memref_slice %arg4[%add3A_406, %dma_start3A_429, %add3A, %dma_start3A_433, %dma_start3A_434] : memref<50x8x32x8x128xf32, #tpu.memory_space<hbm>> -> memref<1x1x1x8x128xf32, #tpu.memory_space<hbm>>
      %dma_start3A_436 = tpu.memref_squeeze %dma_start3A_435 : memref<1x1x1x8x128xf32, #tpu.memory_space<hbm>> -> memref<8x128xf32, #tpu.memory_space<hbm>>
      %dma_start3A_437 = arith.constant 0 : i32
      %dma_start3A_438 = arith.constant 0 : i32
      %dma_start3A_439 = tpu.memref_slice %arg4[%add3A_406, %dma_start3A_429, %add3A, %dma_start3A_437, %dma_start3A_438] : memref<50x8x32x8x128xf32, #tpu.memory_space<hbm>> -> memref<1x1x1x8x128xf32, #tpu.memory_space<hbm>>
      %dma_start3A_440 = tpu.memref_squeeze %dma_start3A_439 : memref<1x1x1x8x128xf32, #tpu.memory_space<hbm>> -> memref<8x128xf32, #tpu.memory_space<hbm>>
      %dma_start3A_441 = arith.constant 0 : i32
      %dma_start3A_442 = arith.constant 0 : i32
      %dma_start3A_443 = tpu.memref_slice %arg10[%dma_start3A_441, %dma_start3A_442] : memref<64x128xf32, #tpu.memory_space<vmem>> -> memref<8x128xf32, #tpu.memory_space<vmem>>
      tpu.enqueue_dma source(%dma_start3A_443 : memref<8x128xf32, #tpu.memory_space<vmem>>) target(%dma_start3A_440 : memref<8x128xf32, #tpu.memory_space<hbm>>) target_semaphore(%arg14 : memref<!tpu.dma_semaphore, #tpu.memory_space<semaphore_mem>>)
      %dma_start3A_444 = arith.constant 1 : i32
      %dma_start3A_445 = arith.constant 8 : i32
      %dma_start3A_446 = arith.constant 0 : i32
      %dma_start3A_447 = tpu.memref_slice %arg10[%dma_start3A_445, %dma_start3A_446] : memref<64x128xf32, #tpu.memory_space<vmem>> -> memref<8x128xf32, #tpu.memory_space<vmem>>
      %dma_start3A_448 = arith.constant 0 : i32
      %dma_start3A_449 = arith.constant 0 : i32
      %dma_start3A_450 = tpu.memref_slice %arg4[%add3A_406, %dma_start3A_444, %add3A, %dma_start3A_448, %dma_start3A_449] : memref<50x8x32x8x128xf32, #tpu.memory_space<hbm>> -> memref<1x1x1x8x128xf32, #tpu.memory_space<hbm>>
      %dma_start3A_451 = tpu.memref_squeeze %dma_start3A_450 : memref<1x1x1x8x128xf32, #tpu.memory_space<hbm>> -> memref<8x128xf32, #tpu.memory_space<hbm>>
      %dma_start3A_452 = arith.constant 0 : i32
      %dma_start3A_453 = arith.constant 0 : i32
      %dma_start3A_454 = tpu.memref_slice %arg4[%add3A_406, %dma_start3A_444, %add3A, %dma_start3A_452, %dma_start3A_453] : memref<50x8x32x8x128xf32, #tpu.memory_space<hbm>> -> memref<1x1x1x8x128xf32, #tpu.memory_space<hbm>>
      %dma_start3A_455 = tpu.memref_squeeze %dma_start3A_454 : memref<1x1x1x8x128xf32, #tpu.memory_space<hbm>> -> memref<8x128xf32, #tpu.memory_space<hbm>>
      %dma_start3A_456 = arith.constant 8 : i32
      %dma_start3A_457 = arith.constant 0 : i32
      %dma_start3A_458 = tpu.memref_slice %arg10[%dma_start3A_456, %dma_start3A_457] : memref<64x128xf32, #tpu.memory_space<vmem>> -> memref<8x128xf32, #tpu.memory_space<vmem>>
      tpu.enqueue_dma source(%dma_start3A_458 : memref<8x128xf32, #tpu.memory_space<vmem>>) target(%dma_start3A_455 : memref<8x128xf32, #tpu.memory_space<hbm>>) target_semaphore(%arg14 : memref<!tpu.dma_semaphore, #tpu.memory_space<semaphore_mem>>)
      %dma_start3A_459 = arith.constant 2 : i32
      %dma_start3A_460 = arith.constant 16 : i32
      %dma_start3A_461 = arith.constant 0 : i32
      %dma_start3A_462 = tpu.memref_slice %arg10[%dma_start3A_460, %dma_start3A_461] : memref<64x128xf32, #tpu.memory_space<vmem>> -> memref<8x128xf32, #tpu.memory_space<vmem>>
      %dma_start3A_463 = arith.constant 0 : i32
      %dma_start3A_464 = arith.constant 0 : i32
      %dma_start3A_465 = tpu.memref_slice %arg4[%add3A_406, %dma_start3A_459, %add3A, %dma_start3A_463, %dma_start3A_464] : memref<50x8x32x8x128xf32, #tpu.memory_space<hbm>> -> memref<1x1x1x8x128xf32, #tpu.memory_space<hbm>>
      %dma_start3A_466 = tpu.memref_squeeze %dma_start3A_465 : memref<1x1x1x8x128xf32, #tpu.memory_space<hbm>> -> memref<8x128xf32, #tpu.memory_space<hbm>>
      %dma_start3A_467 = arith.constant 0 : i32
      %dma_start3A_468 = arith.constant 0 : i32
      %dma_start3A_469 = tpu.memref_slice %arg4[%add3A_406, %dma_start3A_459, %add3A, %dma_start3A_467, %dma_start3A_468] : memref<50x8x32x8x128xf32, #tpu.memory_space<hbm>> -> memref<1x1x1x8x128xf32, #tpu.memory_space<hbm>>
      %dma_start3A_470 = tpu.memref_squeeze %dma_start3A_469 : memref<1x1x1x8x128xf32, #tpu.memory_space<hbm>> -> memref<8x128xf32, #tpu.memory_space<hbm>>
      %dma_start3A_471 = arith.constant 16 : i32
      %dma_start3A_472 = arith.constant 0 : i32
      %dma_start3A_473 = tpu.memref_slice %arg10[%dma_start3A_471, %dma_start3A_472] : memref<64x128xf32, #tpu.memory_space<vmem>> -> memref<8x128xf32, #tpu.memory_space<vmem>>
      tpu.enqueue_dma source(%dma_start3A_473 : memref<8x128xf32, #tpu.memory_space<vmem>>) target(%dma_start3A_470 : memref<8x128xf32, #tpu.memory_space<hbm>>) target_semaphore(%arg14 : memref<!tpu.dma_semaphore, #tpu.memory_space<semaphore_mem>>)
      %dma_start3A_474 = arith.constant 3 : i32
      %dma_start3A_475 = arith.constant 24 : i32
      %dma_start3A_476 = arith.constant 0 : i32
      %dma_start3A_477 = tpu.memref_slice %arg10[%dma_start3A_475, %dma_start3A_476] : memref<64x128xf32, #tpu.memory_space<vmem>> -> memref<8x128xf32, #tpu.memory_space<vmem>>
      %dma_start3A_478 = arith.constant 0 : i32
      %dma_start3A_479 = arith.constant 0 : i32
      %dma_start3A_480 = tpu.memref_slice %arg4[%add3A_406, %dma_start3A_474, %add3A, %dma_start3A_478, %dma_start3A_479] : memref<50x8x32x8x128xf32, #tpu.memory_space<hbm>> -> memref<1x1x1x8x128xf32, #tpu.memory_space<hbm>>
      %dma_start3A_481 = tpu.memref_squeeze %dma_start3A_480 : memref<1x1x1x8x128xf32, #tpu.memory_space<hbm>> -> memref<8x128xf32, #tpu.memory_space<hbm>>
      %dma_start3A_482 = arith.constant 0 : i32
      %dma_start3A_483 = arith.constant 0 : i32
      %dma_start3A_484 = tpu.memref_slice %arg4[%add3A_406, %dma_start3A_474, %add3A, %dma_start3A_482, %dma_start3A_483] : memref<50x8x32x8x128xf32, #tpu.memory_space<hbm>> -> memref<1x1x1x8x128xf32, #tpu.memory_space<hbm>>
      %dma_start3A_485 = tpu.memref_squeeze %dma_start3A_484 : memref<1x1x1x8x128xf32, #tpu.memory_space<hbm>> -> memref<8x128xf32, #tpu.memory_space<hbm>>
      %dma_start3A_486 = arith.constant 24 : i32
      %dma_start3A_487 = arith.constant 0 : i32
      %dma_start3A_488 = tpu.memref_slice %arg10[%dma_start3A_486, %dma_start3A_487] : memref<64x128xf32, #tpu.memory_space<vmem>> -> memref<8x128xf32, #tpu.memory_space<vmem>>
      tpu.enqueue_dma source(%dma_start3A_488 : memref<8x128xf32, #tpu.memory_space<vmem>>) target(%dma_start3A_485 : memref<8x128xf32, #tpu.memory_space<hbm>>) target_semaphore(%arg14 : memref<!tpu.dma_semaphore, #tpu.memory_space<semaphore_mem>>)
      %dma_start3A_489 = arith.constant 4 : i32
      %dma_start3A_490 = arith.constant 32 : i32
      %dma_start3A_491 = arith.constant 0 : i32
      %dma_start3A_492 = tpu.memref_slice %arg10[%dma_start3A_490, %dma_start3A_491] : memref<64x128xf32, #tpu.memory_space<vmem>> -> memref<8x128xf32, #tpu.memory_space<vmem>>
      %dma_start3A_493 = arith.constant 0 : i32
      %dma_start3A_494 = arith.constant 0 : i32
      %dma_start3A_495 = tpu.memref_slice %arg4[%add3A_406, %dma_start3A_489, %add3A, %dma_start3A_493, %dma_start3A_494] : memref<50x8x32x8x128xf32, #tpu.memory_space<hbm>> -> memref<1x1x1x8x128xf32, #tpu.memory_space<hbm>>
      %dma_start3A_496 = tpu.memref_squeeze %dma_start3A_495 : memref<1x1x1x8x128xf32, #tpu.memory_space<hbm>> -> memref<8x128xf32, #tpu.memory_space<hbm>>
      %dma_start3A_497 = arith.constant 0 : i32
      %dma_start3A_498 = arith.constant 0 : i32
      %dma_start3A_499 = tpu.memref_slice %arg4[%add3A_406, %dma_start3A_489, %add3A, %dma_start3A_497, %dma_start3A_498] : memref<50x8x32x8x128xf32, #tpu.memory_space<hbm>> -> memref<1x1x1x8x128xf32, #tpu.memory_space<hbm>>
      %dma_start3A_500 = tpu.memref_squeeze %dma_start3A_499 : memref<1x1x1x8x128xf32, #tpu.memory_space<hbm>> -> memref<8x128xf32, #tpu.memory_space<hbm>>
      %dma_start3A_501 = arith.constant 32 : i32
      %dma_start3A_502 = arith.constant 0 : i32
      %dma_start3A_503 = tpu.memref_slice %arg10[%dma_start3A_501, %dma_start3A_502] : memref<64x128xf32, #tpu.memory_space<vmem>> -> memref<8x128xf32, #tpu.memory_space<vmem>>
      tpu.enqueue_dma source(%dma_start3A_503 : memref<8x128xf32, #tpu.memory_space<vmem>>) target(%dma_start3A_500 : memref<8x128xf32, #tpu.memory_space<hbm>>) target_semaphore(%arg14 : memref<!tpu.dma_semaphore, #tpu.memory_space<semaphore_mem>>)
      %dma_start3A_504 = arith.constant 5 : i32
      %dma_start3A_505 = arith.constant 40 : i32
      %dma_start3A_506 = arith.constant 0 : i32
      %dma_start3A_507 = tpu.memref_slice %arg10[%dma_start3A_505, %dma_start3A_506] : memref<64x128xf32, #tpu.memory_space<vmem>> -> memref<8x128xf32, #tpu.memory_space<vmem>>
      %dma_start3A_508 = arith.constant 0 : i32
      %dma_start3A_509 = arith.constant 0 : i32
      %dma_start3A_510 = tpu.memref_slice %arg4[%add3A_406, %dma_start3A_504, %add3A, %dma_start3A_508, %dma_start3A_509] : memref<50x8x32x8x128xf32, #tpu.memory_space<hbm>> -> memref<1x1x1x8x128xf32, #tpu.memory_space<hbm>>
      %dma_start3A_511 = tpu.memref_squeeze %dma_start3A_510 : memref<1x1x1x8x128xf32, #tpu.memory_space<hbm>> -> memref<8x128xf32, #tpu.memory_space<hbm>>
      %dma_start3A_512 = arith.constant 0 : i32
      %dma_start3A_513 = arith.constant 0 : i32
      %dma_start3A_514 = tpu.memref_slice %arg4[%add3A_406, %dma_start3A_504, %add3A, %dma_start3A_512, %dma_start3A_513] : memref<50x8x32x8x128xf32, #tpu.memory_space<hbm>> -> memref<1x1x1x8x128xf32, #tpu.memory_space<hbm>>
      %dma_start3A_515 = tpu.memref_squeeze %dma_start3A_514 : memref<1x1x1x8x128xf32, #tpu.memory_space<hbm>> -> memref<8x128xf32, #tpu.memory_space<hbm>>
      %dma_start3A_516 = arith.constant 40 : i32
      %dma_start3A_517 = arith.constant 0 : i32
      %dma_start3A_518 = tpu.memref_slice %arg10[%dma_start3A_516, %dma_start3A_517] : memref<64x128xf32, #tpu.memory_space<vmem>> -> memref<8x128xf32, #tpu.memory_space<vmem>>
      tpu.enqueue_dma source(%dma_start3A_518 : memref<8x128xf32, #tpu.memory_space<vmem>>) target(%dma_start3A_515 : memref<8x128xf32, #tpu.memory_space<hbm>>) target_semaphore(%arg14 : memref<!tpu.dma_semaphore, #tpu.memory_space<semaphore_mem>>)
      %dma_start3A_519 = arith.constant 6 : i32
      %dma_start3A_520 = arith.constant 48 : i32
      %dma_start3A_521 = arith.constant 0 : i32
      %dma_start3A_522 = tpu.memref_slice %arg10[%dma_start3A_520, %dma_start3A_521] : memref<64x128xf32, #tpu.memory_space<vmem>> -> memref<8x128xf32, #tpu.memory_space<vmem>>
      %dma_start3A_523 = arith.constant 0 : i32
      %dma_start3A_524 = arith.constant 0 : i32
      %dma_start3A_525 = tpu.memref_slice %arg4[%add3A_406, %dma_start3A_519, %add3A, %dma_start3A_523, %dma_start3A_524] : memref<50x8x32x8x128xf32, #tpu.memory_space<hbm>> -> memref<1x1x1x8x128xf32, #tpu.memory_space<hbm>>
      %dma_start3A_526 = tpu.memref_squeeze %dma_start3A_525 : memref<1x1x1x8x128xf32, #tpu.memory_space<hbm>> -> memref<8x128xf32, #tpu.memory_space<hbm>>
      %dma_start3A_527 = arith.constant 0 : i32
      %dma_start3A_528 = arith.constant 0 : i32
      %dma_start3A_529 = tpu.memref_slice %arg4[%add3A_406, %dma_start3A_519, %add3A, %dma_start3A_527, %dma_start3A_528] : memref<50x8x32x8x128xf32, #tpu.memory_space<hbm>> -> memref<1x1x1x8x128xf32, #tpu.memory_space<hbm>>
      %dma_start3A_530 = tpu.memref_squeeze %dma_start3A_529 : memref<1x1x1x8x128xf32, #tpu.memory_space<hbm>> -> memref<8x128xf32, #tpu.memory_space<hbm>>
      %dma_start3A_531 = arith.constant 48 : i32
      %dma_start3A_532 = arith.constant 0 : i32
      %dma_start3A_533 = tpu.memref_slice %arg10[%dma_start3A_531, %dma_start3A_532] : memref<64x128xf32, #tpu.memory_space<vmem>> -> memref<8x128xf32, #tpu.memory_space<vmem>>
      tpu.enqueue_dma source(%dma_start3A_533 : memref<8x128xf32, #tpu.memory_space<vmem>>) target(%dma_start3A_530 : memref<8x128xf32, #tpu.memory_space<hbm>>) target_semaphore(%arg14 : memref<!tpu.dma_semaphore, #tpu.memory_space<semaphore_mem>>)
      %dma_start3A_534 = arith.constant 7 : i32
      %dma_start3A_535 = arith.constant 56 : i32
      %dma_start3A_536 = arith.constant 0 : i32
      %dma_start3A_537 = tpu.memref_slice %arg10[%dma_start3A_535, %dma_start3A_536] : memref<64x128xf32, #tpu.memory_space<vmem>> -> memref<8x128xf32, #tpu.memory_space<vmem>>
      %dma_start3A_538 = arith.constant 0 : i32
      %dma_start3A_539 = arith.constant 0 : i32
      %dma_start3A_540 = tpu.memref_slice %arg4[%add3A_406, %dma_start3A_534, %add3A, %dma_start3A_538, %dma_start3A_539] : memref<50x8x32x8x128xf32, #tpu.memory_space<hbm>> -> memref<1x1x1x8x128xf32, #tpu.memory_space<hbm>>
      %dma_start3A_541 = tpu.memref_squeeze %dma_start3A_540 : memref<1x1x1x8x128xf32, #tpu.memory_space<hbm>> -> memref<8x128xf32, #tpu.memory_space<hbm>>
      %dma_start3A_542 = arith.constant 0 : i32
      %dma_start3A_543 = arith.constant 0 : i32
      %dma_start3A_544 = tpu.memref_slice %arg4[%add3A_406, %dma_start3A_534, %add3A, %dma_start3A_542, %dma_start3A_543] : memref<50x8x32x8x128xf32, #tpu.memory_space<hbm>> -> memref<1x1x1x8x128xf32, #tpu.memory_space<hbm>>
      %dma_start3A_545 = tpu.memref_squeeze %dma_start3A_544 : memref<1x1x1x8x128xf32, #tpu.memory_space<hbm>> -> memref<8x128xf32, #tpu.memory_space<hbm>>
      %dma_start3A_546 = arith.constant 56 : i32
      %dma_start3A_547 = arith.constant 0 : i32
      %dma_start3A_548 = tpu.memref_slice %arg10[%dma_start3A_546, %dma_start3A_547] : memref<64x128xf32, #tpu.memory_space<vmem>> -> memref<8x128xf32, #tpu.memory_space<vmem>>
      tpu.enqueue_dma source(%dma_start3A_548 : memref<8x128xf32, #tpu.memory_space<vmem>>) target(%dma_start3A_545 : memref<8x128xf32, #tpu.memory_space<hbm>>) target_semaphore(%arg14 : memref<!tpu.dma_semaphore, #tpu.memory_space<semaphore_mem>>)
    }
    %scan3A_7 = arith.constant 25 : i32
    %dma_wait3A = arith.constant 0 : i32
    %dma_wait3A_8 = arith.constant 0 : i32
    %dma_wait3A_9 = arith.constant 0 : i32
    %dma_wait3A_10 = arith.constant 0 : i32
    %dma_wait3A_11 = tpu.memref_slice %arg9[%dma_wait3A_9, %dma_wait3A_10] : memref<64x128xf32, #tpu.memory_space<vmem>> -> memref<8x128xf32, #tpu.memory_space<vmem>>
    %dma_wait3A_12 = arith.constant 0 : i32
    %dma_wait3A_13 = arith.constant 0 : i32
    %dma_wait3A_14 = tpu.memref_slice %arg4[%dma_wait3A, %dma_wait3A_8, %add3A, %dma_wait3A_12, %dma_wait3A_13] : memref<50x8x32x8x128xf32, #tpu.memory_space<hbm>> -> memref<1x1x1x8x128xf32, #tpu.memory_space<hbm>>
    %dma_wait3A_15 = tpu.memref_squeeze %dma_wait3A_14 : memref<1x1x1x8x128xf32, #tpu.memory_space<hbm>> -> memref<8x128xf32, #tpu.memory_space<hbm>>
    %dma_wait3A_16 = arith.constant 0 : i32
    %dma_wait3A_17 = arith.constant 0 : i32
    %dma_wait3A_18 = tpu.memref_slice %arg4[%dma_wait3A, %dma_wait3A_8, %add3A, %dma_wait3A_16, %dma_wait3A_17] : memref<50x8x32x8x128xf32, #tpu.memory_space<hbm>> -> memref<1x1x1x8x128xf32, #tpu.memory_space<hbm>>
    %dma_wait3A_19 = tpu.memref_squeeze %dma_wait3A_18 : memref<1x1x1x8x128xf32, #tpu.memory_space<hbm>> -> memref<8x128xf32, #tpu.memory_space<hbm>>
    %dma_wait3A_20 = arith.constant 0 : i32
    %dma_wait3A_21 = arith.constant 0 : i32
    %dma_wait3A_22 = tpu.memref_slice %arg9[%dma_wait3A_20, %dma_wait3A_21] : memref<64x128xf32, #tpu.memory_space<vmem>> -> memref<8x128xf32, #tpu.memory_space<vmem>>
    tpu.wait_dma2 semaphore(%arg13 : memref<!tpu.dma_semaphore, #tpu.memory_space<semaphore_mem>>) src(%dma_wait3A_22 : memref<8x128xf32, #tpu.memory_space<vmem>>) dst(%dma_wait3A_19 : memref<8x128xf32, #tpu.memory_space<hbm>>)
    %dma_wait3A_23 = arith.constant 0 : i32
    %dma_wait3A_24 = arith.constant 1 : i32
    %dma_wait3A_25 = arith.constant 8 : i32
    %dma_wait3A_26 = arith.constant 0 : i32
    %dma_wait3A_27 = tpu.memref_slice %arg9[%dma_wait3A_25, %dma_wait3A_26] : memref<64x128xf32, #tpu.memory_space<vmem>> -> memref<8x128xf32, #tpu.memory_space<vmem>>
    %dma_wait3A_28 = arith.constant 0 : i32
    %dma_wait3A_29 = arith.constant 0 : i32
    %dma_wait3A_30 = tpu.memref_slice %arg4[%dma_wait3A_23, %dma_wait3A_24, %add3A, %dma_wait3A_28, %dma_wait3A_29] : memref<50x8x32x8x128xf32, #tpu.memory_space<hbm>> -> memref<1x1x1x8x128xf32, #tpu.memory_space<hbm>>
    %dma_wait3A_31 = tpu.memref_squeeze %dma_wait3A_30 : memref<1x1x1x8x128xf32, #tpu.memory_space<hbm>> -> memref<8x128xf32, #tpu.memory_space<hbm>>
    %dma_wait3A_32 = arith.constant 0 : i32
    %dma_wait3A_33 = arith.constant 0 : i32
    %dma_wait3A_34 = tpu.memref_slice %arg4[%dma_wait3A_23, %dma_wait3A_24, %add3A, %dma_wait3A_32, %dma_wait3A_33] : memref<50x8x32x8x128xf32, #tpu.memory_space<hbm>> -> memref<1x1x1x8x128xf32, #tpu.memory_space<hbm>>
    %dma_wait3A_35 = tpu.memref_squeeze %dma_wait3A_34 : memref<1x1x1x8x128xf32, #tpu.memory_space<hbm>> -> memref<8x128xf32, #tpu.memory_space<hbm>>
    %dma_wait3A_36 = arith.constant 8 : i32
    %dma_wait3A_37 = arith.constant 0 : i32
    %dma_wait3A_38 = tpu.memref_slice %arg9[%dma_wait3A_36, %dma_wait3A_37] : memref<64x128xf32, #tpu.memory_space<vmem>> -> memref<8x128xf32, #tpu.memory_space<vmem>>
    tpu.wait_dma2 semaphore(%arg13 : memref<!tpu.dma_semaphore, #tpu.memory_space<semaphore_mem>>) src(%dma_wait3A_38 : memref<8x128xf32, #tpu.memory_space<vmem>>) dst(%dma_wait3A_35 : memref<8x128xf32, #tpu.memory_space<hbm>>)
    %dma_wait3A_39 = arith.constant 0 : i32
    %dma_wait3A_40 = arith.constant 2 : i32
    %dma_wait3A_41 = arith.constant 16 : i32
    %dma_wait3A_42 = arith.constant 0 : i32
    %dma_wait3A_43 = tpu.memref_slice %arg9[%dma_wait3A_41, %dma_wait3A_42] : memref<64x128xf32, #tpu.memory_space<vmem>> -> memref<8x128xf32, #tpu.memory_space<vmem>>
    %dma_wait3A_44 = arith.constant 0 : i32
    %dma_wait3A_45 = arith.constant 0 : i32
    %dma_wait3A_46 = tpu.memref_slice %arg4[%dma_wait3A_39, %dma_wait3A_40, %add3A, %dma_wait3A_44, %dma_wait3A_45] : memref<50x8x32x8x128xf32, #tpu.memory_space<hbm>> -> memref<1x1x1x8x128xf32, #tpu.memory_space<hbm>>
    %dma_wait3A_47 = tpu.memref_squeeze %dma_wait3A_46 : memref<1x1x1x8x128xf32, #tpu.memory_space<hbm>> -> memref<8x128xf32, #tpu.memory_space<hbm>>
    %dma_wait3A_48 = arith.constant 0 : i32
    %dma_wait3A_49 = arith.constant 0 : i32
    %dma_wait3A_50 = tpu.memref_slice %arg4[%dma_wait3A_39, %dma_wait3A_40, %add3A, %dma_wait3A_48, %dma_wait3A_49] : memref<50x8x32x8x128xf32, #tpu.memory_space<hbm>> -> memref<1x1x1x8x128xf32, #tpu.memory_space<hbm>>
    %dma_wait3A_51 = tpu.memref_squeeze %dma_wait3A_50 : memref<1x1x1x8x128xf32, #tpu.memory_space<hbm>> -> memref<8x128xf32, #tpu.memory_space<hbm>>
    %dma_wait3A_52 = arith.constant 16 : i32
    %dma_wait3A_53 = arith.constant 0 : i32
    %dma_wait3A_54 = tpu.memref_slice %arg9[%dma_wait3A_52, %dma_wait3A_53] : memref<64x128xf32, #tpu.memory_space<vmem>> -> memref<8x128xf32, #tpu.memory_space<vmem>>
    tpu.wait_dma2 semaphore(%arg13 : memref<!tpu.dma_semaphore, #tpu.memory_space<semaphore_mem>>) src(%dma_wait3A_54 : memref<8x128xf32, #tpu.memory_space<vmem>>) dst(%dma_wait3A_51 : memref<8x128xf32, #tpu.memory_space<hbm>>)
    %dma_wait3A_55 = arith.constant 0 : i32
    %dma_wait3A_56 = arith.constant 3 : i32
    %dma_wait3A_57 = arith.constant 24 : i32
    %dma_wait3A_58 = arith.constant 0 : i32
    %dma_wait3A_59 = tpu.memref_slice %arg9[%dma_wait3A_57, %dma_wait3A_58] : memref<64x128xf32, #tpu.memory_space<vmem>> -> memref<8x128xf32, #tpu.memory_space<vmem>>
    %dma_wait3A_60 = arith.constant 0 : i32
    %dma_wait3A_61 = arith.constant 0 : i32
    %dma_wait3A_62 = tpu.memref_slice %arg4[%dma_wait3A_55, %dma_wait3A_56, %add3A, %dma_wait3A_60, %dma_wait3A_61] : memref<50x8x32x8x128xf32, #tpu.memory_space<hbm>> -> memref<1x1x1x8x128xf32, #tpu.memory_space<hbm>>
    %dma_wait3A_63 = tpu.memref_squeeze %dma_wait3A_62 : memref<1x1x1x8x128xf32, #tpu.memory_space<hbm>> -> memref<8x128xf32, #tpu.memory_space<hbm>>
    %dma_wait3A_64 = arith.constant 0 : i32
    %dma_wait3A_65 = arith.constant 0 : i32
    %dma_wait3A_66 = tpu.memref_slice %arg4[%dma_wait3A_55, %dma_wait3A_56, %add3A, %dma_wait3A_64, %dma_wait3A_65] : memref<50x8x32x8x128xf32, #tpu.memory_space<hbm>> -> memref<1x1x1x8x128xf32, #tpu.memory_space<hbm>>
    %dma_wait3A_67 = tpu.memref_squeeze %dma_wait3A_66 : memref<1x1x1x8x128xf32, #tpu.memory_space<hbm>> -> memref<8x128xf32, #tpu.memory_space<hbm>>
    %dma_wait3A_68 = arith.constant 24 : i32
    %dma_wait3A_69 = arith.constant 0 : i32
    %dma_wait3A_70 = tpu.memref_slice %arg9[%dma_wait3A_68, %dma_wait3A_69] : memref<64x128xf32, #tpu.memory_space<vmem>> -> memref<8x128xf32, #tpu.memory_space<vmem>>
    tpu.wait_dma2 semaphore(%arg13 : memref<!tpu.dma_semaphore, #tpu.memory_space<semaphore_mem>>) src(%dma_wait3A_70 : memref<8x128xf32, #tpu.memory_space<vmem>>) dst(%dma_wait3A_67 : memref<8x128xf32, #tpu.memory_space<hbm>>)
    %dma_wait3A_71 = arith.constant 0 : i32
    %dma_wait3A_72 = arith.constant 4 : i32
    %dma_wait3A_73 = arith.constant 32 : i32
    %dma_wait3A_74 = arith.constant 0 : i32
    %dma_wait3A_75 = tpu.memref_slice %arg9[%dma_wait3A_73, %dma_wait3A_74] : memref<64x128xf32, #tpu.memory_space<vmem>> -> memref<8x128xf32, #tpu.memory_space<vmem>>
    %dma_wait3A_76 = arith.constant 0 : i32
    %dma_wait3A_77 = arith.constant 0 : i32
    %dma_wait3A_78 = tpu.memref_slice %arg4[%dma_wait3A_71, %dma_wait3A_72, %add3A, %dma_wait3A_76, %dma_wait3A_77] : memref<50x8x32x8x128xf32, #tpu.memory_space<hbm>> -> memref<1x1x1x8x128xf32, #tpu.memory_space<hbm>>
    %dma_wait3A_79 = tpu.memref_squeeze %dma_wait3A_78 : memref<1x1x1x8x128xf32, #tpu.memory_space<hbm>> -> memref<8x128xf32, #tpu.memory_space<hbm>>
    %dma_wait3A_80 = arith.constant 0 : i32
    %dma_wait3A_81 = arith.constant 0 : i32
    %dma_wait3A_82 = tpu.memref_slice %arg4[%dma_wait3A_71, %dma_wait3A_72, %add3A, %dma_wait3A_80, %dma_wait3A_81] : memref<50x8x32x8x128xf32, #tpu.memory_space<hbm>> -> memref<1x1x1x8x128xf32, #tpu.memory_space<hbm>>
    %dma_wait3A_83 = tpu.memref_squeeze %dma_wait3A_82 : memref<1x1x1x8x128xf32, #tpu.memory_space<hbm>> -> memref<8x128xf32, #tpu.memory_space<hbm>>
    %dma_wait3A_84 = arith.constant 32 : i32
    %dma_wait3A_85 = arith.constant 0 : i32
    %dma_wait3A_86 = tpu.memref_slice %arg9[%dma_wait3A_84, %dma_wait3A_85] : memref<64x128xf32, #tpu.memory_space<vmem>> -> memref<8x128xf32, #tpu.memory_space<vmem>>
    tpu.wait_dma2 semaphore(%arg13 : memref<!tpu.dma_semaphore, #tpu.memory_space<semaphore_mem>>) src(%dma_wait3A_86 : memref<8x128xf32, #tpu.memory_space<vmem>>) dst(%dma_wait3A_83 : memref<8x128xf32, #tpu.memory_space<hbm>>)
    %dma_wait3A_87 = arith.constant 0 : i32
    %dma_wait3A_88 = arith.constant 5 : i32
    %dma_wait3A_89 = arith.constant 40 : i32
    %dma_wait3A_90 = arith.constant 0 : i32
    %dma_wait3A_91 = tpu.memref_slice %arg9[%dma_wait3A_89, %dma_wait3A_90] : memref<64x128xf32, #tpu.memory_space<vmem>> -> memref<8x128xf32, #tpu.memory_space<vmem>>
    %dma_wait3A_92 = arith.constant 0 : i32
    %dma_wait3A_93 = arith.constant 0 : i32
    %dma_wait3A_94 = tpu.memref_slice %arg4[%dma_wait3A_87, %dma_wait3A_88, %add3A, %dma_wait3A_92, %dma_wait3A_93] : memref<50x8x32x8x128xf32, #tpu.memory_space<hbm>> -> memref<1x1x1x8x128xf32, #tpu.memory_space<hbm>>
    %dma_wait3A_95 = tpu.memref_squeeze %dma_wait3A_94 : memref<1x1x1x8x128xf32, #tpu.memory_space<hbm>> -> memref<8x128xf32, #tpu.memory_space<hbm>>
    %dma_wait3A_96 = arith.constant 0 : i32
    %dma_wait3A_97 = arith.constant 0 : i32
    %dma_wait3A_98 = tpu.memref_slice %arg4[%dma_wait3A_87, %dma_wait3A_88, %add3A, %dma_wait3A_96, %dma_wait3A_97] : memref<50x8x32x8x128xf32, #tpu.memory_space<hbm>> -> memref<1x1x1x8x128xf32, #tpu.memory_space<hbm>>
    %dma_wait3A_99 = tpu.memref_squeeze %dma_wait3A_98 : memref<1x1x1x8x128xf32, #tpu.memory_space<hbm>> -> memref<8x128xf32, #tpu.memory_space<hbm>>
    %dma_wait3A_100 = arith.constant 40 : i32
    %dma_wait3A_101 = arith.constant 0 : i32
    %dma_wait3A_102 = tpu.memref_slice %arg9[%dma_wait3A_100, %dma_wait3A_101] : memref<64x128xf32, #tpu.memory_space<vmem>> -> memref<8x128xf32, #tpu.memory_space<vmem>>
    tpu.wait_dma2 semaphore(%arg13 : memref<!tpu.dma_semaphore, #tpu.memory_space<semaphore_mem>>) src(%dma_wait3A_102 : memref<8x128xf32, #tpu.memory_space<vmem>>) dst(%dma_wait3A_99 : memref<8x128xf32, #tpu.memory_space<hbm>>)
    %dma_wait3A_103 = arith.constant 0 : i32
    %dma_wait3A_104 = arith.constant 6 : i32
    %dma_wait3A_105 = arith.constant 48 : i32
    %dma_wait3A_106 = arith.constant 0 : i32
    %dma_wait3A_107 = tpu.memref_slice %arg9[%dma_wait3A_105, %dma_wait3A_106] : memref<64x128xf32, #tpu.memory_space<vmem>> -> memref<8x128xf32, #tpu.memory_space<vmem>>
    %dma_wait3A_108 = arith.constant 0 : i32
    %dma_wait3A_109 = arith.constant 0 : i32
    %dma_wait3A_110 = tpu.memref_slice %arg4[%dma_wait3A_103, %dma_wait3A_104, %add3A, %dma_wait3A_108, %dma_wait3A_109] : memref<50x8x32x8x128xf32, #tpu.memory_space<hbm>> -> memref<1x1x1x8x128xf32, #tpu.memory_space<hbm>>
    %dma_wait3A_111 = tpu.memref_squeeze %dma_wait3A_110 : memref<1x1x1x8x128xf32, #tpu.memory_space<hbm>> -> memref<8x128xf32, #tpu.memory_space<hbm>>
    %dma_wait3A_112 = arith.constant 0 : i32
    %dma_wait3A_113 = arith.constant 0 : i32
    %dma_wait3A_114 = tpu.memref_slice %arg4[%dma_wait3A_103, %dma_wait3A_104, %add3A, %dma_wait3A_112, %dma_wait3A_113] : memref<50x8x32x8x128xf32, #tpu.memory_space<hbm>> -> memref<1x1x1x8x128xf32, #tpu.memory_space<hbm>>
    %dma_wait3A_115 = tpu.memref_squeeze %dma_wait3A_114 : memref<1x1x1x8x128xf32, #tpu.memory_space<hbm>> -> memref<8x128xf32, #tpu.memory_space<hbm>>
    %dma_wait3A_116 = arith.constant 48 : i32
    %dma_wait3A_117 = arith.constant 0 : i32
    %dma_wait3A_118 = tpu.memref_slice %arg9[%dma_wait3A_116, %dma_wait3A_117] : memref<64x128xf32, #tpu.memory_space<vmem>> -> memref<8x128xf32, #tpu.memory_space<vmem>>
    tpu.wait_dma2 semaphore(%arg13 : memref<!tpu.dma_semaphore, #tpu.memory_space<semaphore_mem>>) src(%dma_wait3A_118 : memref<8x128xf32, #tpu.memory_space<vmem>>) dst(%dma_wait3A_115 : memref<8x128xf32, #tpu.memory_space<hbm>>)
    %dma_wait3A_119 = arith.constant 0 : i32
    %dma_wait3A_120 = arith.constant 7 : i32
    %dma_wait3A_121 = arith.constant 56 : i32
    %dma_wait3A_122 = arith.constant 0 : i32
    %dma_wait3A_123 = tpu.memref_slice %arg9[%dma_wait3A_121, %dma_wait3A_122] : memref<64x128xf32, #tpu.memory_space<vmem>> -> memref<8x128xf32, #tpu.memory_space<vmem>>
    %dma_wait3A_124 = arith.constant 0 : i32
    %dma_wait3A_125 = arith.constant 0 : i32
    %dma_wait3A_126 = tpu.memref_slice %arg4[%dma_wait3A_119, %dma_wait3A_120, %add3A, %dma_wait3A_124, %dma_wait3A_125] : memref<50x8x32x8x128xf32, #tpu.memory_space<hbm>> -> memref<1x1x1x8x128xf32, #tpu.memory_space<hbm>>
    %dma_wait3A_127 = tpu.memref_squeeze %dma_wait3A_126 : memref<1x1x1x8x128xf32, #tpu.memory_space<hbm>> -> memref<8x128xf32, #tpu.memory_space<hbm>>
    %dma_wait3A_128 = arith.constant 0 : i32
    %dma_wait3A_129 = arith.constant 0 : i32
    %dma_wait3A_130 = tpu.memref_slice %arg4[%dma_wait3A_119, %dma_wait3A_120, %add3A, %dma_wait3A_128, %dma_wait3A_129] : memref<50x8x32x8x128xf32, #tpu.memory_space<hbm>> -> memref<1x1x1x8x128xf32, #tpu.memory_space<hbm>>
    %dma_wait3A_131 = tpu.memref_squeeze %dma_wait3A_130 : memref<1x1x1x8x128xf32, #tpu.memory_space<hbm>> -> memref<8x128xf32, #tpu.memory_space<hbm>>
    %dma_wait3A_132 = arith.constant 56 : i32
    %dma_wait3A_133 = arith.constant 0 : i32
    %dma_wait3A_134 = tpu.memref_slice %arg9[%dma_wait3A_132, %dma_wait3A_133] : memref<64x128xf32, #tpu.memory_space<vmem>> -> memref<8x128xf32, #tpu.memory_space<vmem>>
    tpu.wait_dma2 semaphore(%arg13 : memref<!tpu.dma_semaphore, #tpu.memory_space<semaphore_mem>>) src(%dma_wait3A_134 : memref<8x128xf32, #tpu.memory_space<vmem>>) dst(%dma_wait3A_131 : memref<8x128xf32, #tpu.memory_space<hbm>>)
    %dma_wait3A_135 = arith.constant 0 : i32
    %dma_wait3A_136 = arith.constant 0 : i32
    %dma_wait3A_137 = arith.constant 0 : i32
    %dma_wait3A_138 = arith.constant 0 : i32
    %dma_wait3A_139 = tpu.memref_slice %arg10[%dma_wait3A_137, %dma_wait3A_138] : memref<64x128xf32, #tpu.memory_space<vmem>> -> memref<8x128xf32, #tpu.memory_space<vmem>>
    %dma_wait3A_140 = arith.constant 0 : i32
    %dma_wait3A_141 = arith.constant 0 : i32
    %dma_wait3A_142 = tpu.memref_slice %arg4[%dma_wait3A_135, %dma_wait3A_136, %add3A, %dma_wait3A_140, %dma_wait3A_141] : memref<50x8x32x8x128xf32, #tpu.memory_space<hbm>> -> memref<1x1x1x8x128xf32, #tpu.memory_space<hbm>>
    %dma_wait3A_143 = tpu.memref_squeeze %dma_wait3A_142 : memref<1x1x1x8x128xf32, #tpu.memory_space<hbm>> -> memref<8x128xf32, #tpu.memory_space<hbm>>
    %dma_wait3A_144 = arith.constant 0 : i32
    %dma_wait3A_145 = arith.constant 0 : i32
    %dma_wait3A_146 = tpu.memref_slice %arg4[%dma_wait3A_135, %dma_wait3A_136, %add3A, %dma_wait3A_144, %dma_wait3A_145] : memref<50x8x32x8x128xf32, #tpu.memory_space<hbm>> -> memref<1x1x1x8x128xf32, #tpu.memory_space<hbm>>
    %dma_wait3A_147 = tpu.memref_squeeze %dma_wait3A_146 : memref<1x1x1x8x128xf32, #tpu.memory_space<hbm>> -> memref<8x128xf32, #tpu.memory_space<hbm>>
    %dma_wait3A_148 = arith.constant 0 : i32
    %dma_wait3A_149 = arith.constant 0 : i32
    %dma_wait3A_150 = tpu.memref_slice %arg10[%dma_wait3A_148, %dma_wait3A_149] : memref<64x128xf32, #tpu.memory_space<vmem>> -> memref<8x128xf32, #tpu.memory_space<vmem>>
    tpu.wait_dma2 semaphore(%arg14 : memref<!tpu.dma_semaphore, #tpu.memory_space<semaphore_mem>>) src(%dma_wait3A_150 : memref<8x128xf32, #tpu.memory_space<vmem>>) dst(%dma_wait3A_147 : memref<8x128xf32, #tpu.memory_space<hbm>>)
    %dma_wait3A_151 = arith.constant 0 : i32
    %dma_wait3A_152 = arith.constant 1 : i32
    %dma_wait3A_153 = arith.constant 8 : i32
    %dma_wait3A_154 = arith.constant 0 : i32
    %dma_wait3A_155 = tpu.memref_slice %arg10[%dma_wait3A_153, %dma_wait3A_154] : memref<64x128xf32, #tpu.memory_space<vmem>> -> memref<8x128xf32, #tpu.memory_space<vmem>>
    %dma_wait3A_156 = arith.constant 0 : i32
    %dma_wait3A_157 = arith.constant 0 : i32
    %dma_wait3A_158 = tpu.memref_slice %arg4[%dma_wait3A_151, %dma_wait3A_152, %add3A, %dma_wait3A_156, %dma_wait3A_157] : memref<50x8x32x8x128xf32, #tpu.memory_space<hbm>> -> memref<1x1x1x8x128xf32, #tpu.memory_space<hbm>>
    %dma_wait3A_159 = tpu.memref_squeeze %dma_wait3A_158 : memref<1x1x1x8x128xf32, #tpu.memory_space<hbm>> -> memref<8x128xf32, #tpu.memory_space<hbm>>
    %dma_wait3A_160 = arith.constant 0 : i32
    %dma_wait3A_161 = arith.constant 0 : i32
    %dma_wait3A_162 = tpu.memref_slice %arg4[%dma_wait3A_151, %dma_wait3A_152, %add3A, %dma_wait3A_160, %dma_wait3A_161] : memref<50x8x32x8x128xf32, #tpu.memory_space<hbm>> -> memref<1x1x1x8x128xf32, #tpu.memory_space<hbm>>
    %dma_wait3A_163 = tpu.memref_squeeze %dma_wait3A_162 : memref<1x1x1x8x128xf32, #tpu.memory_space<hbm>> -> memref<8x128xf32, #tpu.memory_space<hbm>>
    %dma_wait3A_164 = arith.constant 8 : i32
    %dma_wait3A_165 = arith.constant 0 : i32
    %dma_wait3A_166 = tpu.memref_slice %arg10[%dma_wait3A_164, %dma_wait3A_165] : memref<64x128xf32, #tpu.memory_space<vmem>> -> memref<8x128xf32, #tpu.memory_space<vmem>>
    tpu.wait_dma2 semaphore(%arg14 : memref<!tpu.dma_semaphore, #tpu.memory_space<semaphore_mem>>) src(%dma_wait3A_166 : memref<8x128xf32, #tpu.memory_space<vmem>>) dst(%dma_wait3A_163 : memref<8x128xf32, #tpu.memory_space<hbm>>)
    %dma_wait3A_167 = arith.constant 0 : i32
    %dma_wait3A_168 = arith.constant 2 : i32
    %dma_wait3A_169 = arith.constant 16 : i32
    %dma_wait3A_170 = arith.constant 0 : i32
    %dma_wait3A_171 = tpu.memref_slice %arg10[%dma_wait3A_169, %dma_wait3A_170] : memref<64x128xf32, #tpu.memory_space<vmem>> -> memref<8x128xf32, #tpu.memory_space<vmem>>
    %dma_wait3A_172 = arith.constant 0 : i32
    %dma_wait3A_173 = arith.constant 0 : i32
    %dma_wait3A_174 = tpu.memref_slice %arg4[%dma_wait3A_167, %dma_wait3A_168, %add3A, %dma_wait3A_172, %dma_wait3A_173] : memref<50x8x32x8x128xf32, #tpu.memory_space<hbm>> -> memref<1x1x1x8x128xf32, #tpu.memory_space<hbm>>
    %dma_wait3A_175 = tpu.memref_squeeze %dma_wait3A_174 : memref<1x1x1x8x128xf32, #tpu.memory_space<hbm>> -> memref<8x128xf32, #tpu.memory_space<hbm>>
    %dma_wait3A_176 = arith.constant 0 : i32
    %dma_wait3A_177 = arith.constant 0 : i32
    %dma_wait3A_178 = tpu.memref_slice %arg4[%dma_wait3A_167, %dma_wait3A_168, %add3A, %dma_wait3A_176, %dma_wait3A_177] : memref<50x8x32x8x128xf32, #tpu.memory_space<hbm>> -> memref<1x1x1x8x128xf32, #tpu.memory_space<hbm>>
    %dma_wait3A_179 = tpu.memref_squeeze %dma_wait3A_178 : memref<1x1x1x8x128xf32, #tpu.memory_space<hbm>> -> memref<8x128xf32, #tpu.memory_space<hbm>>
    %dma_wait3A_180 = arith.constant 16 : i32
    %dma_wait3A_181 = arith.constant 0 : i32
    %dma_wait3A_182 = tpu.memref_slice %arg10[%dma_wait3A_180, %dma_wait3A_181] : memref<64x128xf32, #tpu.memory_space<vmem>> -> memref<8x128xf32, #tpu.memory_space<vmem>>
    tpu.wait_dma2 semaphore(%arg14 : memref<!tpu.dma_semaphore, #tpu.memory_space<semaphore_mem>>) src(%dma_wait3A_182 : memref<8x128xf32, #tpu.memory_space<vmem>>) dst(%dma_wait3A_179 : memref<8x128xf32, #tpu.memory_space<hbm>>)
    %dma_wait3A_183 = arith.constant 0 : i32
    %dma_wait3A_184 = arith.constant 3 : i32
    %dma_wait3A_185 = arith.constant 24 : i32
    %dma_wait3A_186 = arith.constant 0 : i32
    %dma_wait3A_187 = tpu.memref_slice %arg10[%dma_wait3A_185, %dma_wait3A_186] : memref<64x128xf32, #tpu.memory_space<vmem>> -> memref<8x128xf32, #tpu.memory_space<vmem>>
    %dma_wait3A_188 = arith.constant 0 : i32
    %dma_wait3A_189 = arith.constant 0 : i32
    %dma_wait3A_190 = tpu.memref_slice %arg4[%dma_wait3A_183, %dma_wait3A_184, %add3A, %dma_wait3A_188, %dma_wait3A_189] : memref<50x8x32x8x128xf32, #tpu.memory_space<hbm>> -> memref<1x1x1x8x128xf32, #tpu.memory_space<hbm>>
    %dma_wait3A_191 = tpu.memref_squeeze %dma_wait3A_190 : memref<1x1x1x8x128xf32, #tpu.memory_space<hbm>> -> memref<8x128xf32, #tpu.memory_space<hbm>>
    %dma_wait3A_192 = arith.constant 0 : i32
    %dma_wait3A_193 = arith.constant 0 : i32
    %dma_wait3A_194 = tpu.memref_slice %arg4[%dma_wait3A_183, %dma_wait3A_184, %add3A, %dma_wait3A_192, %dma_wait3A_193] : memref<50x8x32x8x128xf32, #tpu.memory_space<hbm>> -> memref<1x1x1x8x128xf32, #tpu.memory_space<hbm>>
    %dma_wait3A_195 = tpu.memref_squeeze %dma_wait3A_194 : memref<1x1x1x8x128xf32, #tpu.memory_space<hbm>> -> memref<8x128xf32, #tpu.memory_space<hbm>>
    %dma_wait3A_196 = arith.constant 24 : i32
    %dma_wait3A_197 = arith.constant 0 : i32
    %dma_wait3A_198 = tpu.memref_slice %arg10[%dma_wait3A_196, %dma_wait3A_197] : memref<64x128xf32, #tpu.memory_space<vmem>> -> memref<8x128xf32, #tpu.memory_space<vmem>>
    tpu.wait_dma2 semaphore(%arg14 : memref<!tpu.dma_semaphore, #tpu.memory_space<semaphore_mem>>) src(%dma_wait3A_198 : memref<8x128xf32, #tpu.memory_space<vmem>>) dst(%dma_wait3A_195 : memref<8x128xf32, #tpu.memory_space<hbm>>)
    %dma_wait3A_199 = arith.constant 0 : i32
    %dma_wait3A_200 = arith.constant 4 : i32
    %dma_wait3A_201 = arith.constant 32 : i32
    %dma_wait3A_202 = arith.constant 0 : i32
    %dma_wait3A_203 = tpu.memref_slice %arg10[%dma_wait3A_201, %dma_wait3A_202] : memref<64x128xf32, #tpu.memory_space<vmem>> -> memref<8x128xf32, #tpu.memory_space<vmem>>
    %dma_wait3A_204 = arith.constant 0 : i32
    %dma_wait3A_205 = arith.constant 0 : i32
    %dma_wait3A_206 = tpu.memref_slice %arg4[%dma_wait3A_199, %dma_wait3A_200, %add3A, %dma_wait3A_204, %dma_wait3A_205] : memref<50x8x32x8x128xf32, #tpu.memory_space<hbm>> -> memref<1x1x1x8x128xf32, #tpu.memory_space<hbm>>
    %dma_wait3A_207 = tpu.memref_squeeze %dma_wait3A_206 : memref<1x1x1x8x128xf32, #tpu.memory_space<hbm>> -> memref<8x128xf32, #tpu.memory_space<hbm>>
    %dma_wait3A_208 = arith.constant 0 : i32
    %dma_wait3A_209 = arith.constant 0 : i32
    %dma_wait3A_210 = tpu.memref_slice %arg4[%dma_wait3A_199, %dma_wait3A_200, %add3A, %dma_wait3A_208, %dma_wait3A_209] : memref<50x8x32x8x128xf32, #tpu.memory_space<hbm>> -> memref<1x1x1x8x128xf32, #tpu.memory_space<hbm>>
    %dma_wait3A_211 = tpu.memref_squeeze %dma_wait3A_210 : memref<1x1x1x8x128xf32, #tpu.memory_space<hbm>> -> memref<8x128xf32, #tpu.memory_space<hbm>>
    %dma_wait3A_212 = arith.constant 32 : i32
    %dma_wait3A_213 = arith.constant 0 : i32
    %dma_wait3A_214 = tpu.memref_slice %arg10[%dma_wait3A_212, %dma_wait3A_213] : memref<64x128xf32, #tpu.memory_space<vmem>> -> memref<8x128xf32, #tpu.memory_space<vmem>>
    tpu.wait_dma2 semaphore(%arg14 : memref<!tpu.dma_semaphore, #tpu.memory_space<semaphore_mem>>) src(%dma_wait3A_214 : memref<8x128xf32, #tpu.memory_space<vmem>>) dst(%dma_wait3A_211 : memref<8x128xf32, #tpu.memory_space<hbm>>)
    %dma_wait3A_215 = arith.constant 0 : i32
    %dma_wait3A_216 = arith.constant 5 : i32
    %dma_wait3A_217 = arith.constant 40 : i32
    %dma_wait3A_218 = arith.constant 0 : i32
    %dma_wait3A_219 = tpu.memref_slice %arg10[%dma_wait3A_217, %dma_wait3A_218] : memref<64x128xf32, #tpu.memory_space<vmem>> -> memref<8x128xf32, #tpu.memory_space<vmem>>
    %dma_wait3A_220 = arith.constant 0 : i32
    %dma_wait3A_221 = arith.constant 0 : i32
    %dma_wait3A_222 = tpu.memref_slice %arg4[%dma_wait3A_215, %dma_wait3A_216, %add3A, %dma_wait3A_220, %dma_wait3A_221] : memref<50x8x32x8x128xf32, #tpu.memory_space<hbm>> -> memref<1x1x1x8x128xf32, #tpu.memory_space<hbm>>
    %dma_wait3A_223 = tpu.memref_squeeze %dma_wait3A_222 : memref<1x1x1x8x128xf32, #tpu.memory_space<hbm>> -> memref<8x128xf32, #tpu.memory_space<hbm>>
    %dma_wait3A_224 = arith.constant 0 : i32
    %dma_wait3A_225 = arith.constant 0 : i32
    %dma_wait3A_226 = tpu.memref_slice %arg4[%dma_wait3A_215, %dma_wait3A_216, %add3A, %dma_wait3A_224, %dma_wait3A_225] : memref<50x8x32x8x128xf32, #tpu.memory_space<hbm>> -> memref<1x1x1x8x128xf32, #tpu.memory_space<hbm>>
    %dma_wait3A_227 = tpu.memref_squeeze %dma_wait3A_226 : memref<1x1x1x8x128xf32, #tpu.memory_space<hbm>> -> memref<8x128xf32, #tpu.memory_space<hbm>>
    %dma_wait3A_228 = arith.constant 40 : i32
    %dma_wait3A_229 = arith.constant 0 : i32
    %dma_wait3A_230 = tpu.memref_slice %arg10[%dma_wait3A_228, %dma_wait3A_229] : memref<64x128xf32, #tpu.memory_space<vmem>> -> memref<8x128xf32, #tpu.memory_space<vmem>>
    tpu.wait_dma2 semaphore(%arg14 : memref<!tpu.dma_semaphore, #tpu.memory_space<semaphore_mem>>) src(%dma_wait3A_230 : memref<8x128xf32, #tpu.memory_space<vmem>>) dst(%dma_wait3A_227 : memref<8x128xf32, #tpu.memory_space<hbm>>)
    %dma_wait3A_231 = arith.constant 0 : i32
    %dma_wait3A_232 = arith.constant 6 : i32
    %dma_wait3A_233 = arith.constant 48 : i32
    %dma_wait3A_234 = arith.constant 0 : i32
    %dma_wait3A_235 = tpu.memref_slice %arg10[%dma_wait3A_233, %dma_wait3A_234] : memref<64x128xf32, #tpu.memory_space<vmem>> -> memref<8x128xf32, #tpu.memory_space<vmem>>
    %dma_wait3A_236 = arith.constant 0 : i32
    %dma_wait3A_237 = arith.constant 0 : i32
    %dma_wait3A_238 = tpu.memref_slice %arg4[%dma_wait3A_231, %dma_wait3A_232, %add3A, %dma_wait3A_236, %dma_wait3A_237] : memref<50x8x32x8x128xf32, #tpu.memory_space<hbm>> -> memref<1x1x1x8x128xf32, #tpu.memory_space<hbm>>
    %dma_wait3A_239 = tpu.memref_squeeze %dma_wait3A_238 : memref<1x1x1x8x128xf32, #tpu.memory_space<hbm>> -> memref<8x128xf32, #tpu.memory_space<hbm>>
    %dma_wait3A_240 = arith.constant 0 : i32
    %dma_wait3A_241 = arith.constant 0 : i32
    %dma_wait3A_242 = tpu.memref_slice %arg4[%dma_wait3A_231, %dma_wait3A_232, %add3A, %dma_wait3A_240, %dma_wait3A_241] : memref<50x8x32x8x128xf32, #tpu.memory_space<hbm>> -> memref<1x1x1x8x128xf32, #tpu.memory_space<hbm>>
    %dma_wait3A_243 = tpu.memref_squeeze %dma_wait3A_242 : memref<1x1x1x8x128xf32, #tpu.memory_space<hbm>> -> memref<8x128xf32, #tpu.memory_space<hbm>>
    %dma_wait3A_244 = arith.constant 48 : i32
    %dma_wait3A_245 = arith.constant 0 : i32
    %dma_wait3A_246 = tpu.memref_slice %arg10[%dma_wait3A_244, %dma_wait3A_245] : memref<64x128xf32, #tpu.memory_space<vmem>> -> memref<8x128xf32, #tpu.memory_space<vmem>>
    tpu.wait_dma2 semaphore(%arg14 : memref<!tpu.dma_semaphore, #tpu.memory_space<semaphore_mem>>) src(%dma_wait3A_246 : memref<8x128xf32, #tpu.memory_space<vmem>>) dst(%dma_wait3A_243 : memref<8x128xf32, #tpu.memory_space<hbm>>)
    %dma_wait3A_247 = arith.constant 0 : i32
    %dma_wait3A_248 = arith.constant 7 : i32
    %dma_wait3A_249 = arith.constant 56 : i32
    %dma_wait3A_250 = arith.constant 0 : i32
    %dma_wait3A_251 = tpu.memref_slice %arg10[%dma_wait3A_249, %dma_wait3A_250] : memref<64x128xf32, #tpu.memory_space<vmem>> -> memref<8x128xf32, #tpu.memory_space<vmem>>
    %dma_wait3A_252 = arith.constant 0 : i32
    %dma_wait3A_253 = arith.constant 0 : i32
    %dma_wait3A_254 = tpu.memref_slice %arg4[%dma_wait3A_247, %dma_wait3A_248, %add3A, %dma_wait3A_252, %dma_wait3A_253] : memref<50x8x32x8x128xf32, #tpu.memory_space<hbm>> -> memref<1x1x1x8x128xf32, #tpu.memory_space<hbm>>
    %dma_wait3A_255 = tpu.memref_squeeze %dma_wait3A_254 : memref<1x1x1x8x128xf32, #tpu.memory_space<hbm>> -> memref<8x128xf32, #tpu.memory_space<hbm>>
    %dma_wait3A_256 = arith.constant 0 : i32
    %dma_wait3A_257 = arith.constant 0 : i32
    %dma_wait3A_258 = tpu.memref_slice %arg4[%dma_wait3A_247, %dma_wait3A_248, %add3A, %dma_wait3A_256, %dma_wait3A_257] : memref<50x8x32x8x128xf32, #tpu.memory_space<hbm>> -> memref<1x1x1x8x128xf32, #tpu.memory_space<hbm>>
    %dma_wait3A_259 = tpu.memref_squeeze %dma_wait3A_258 : memref<1x1x1x8x128xf32, #tpu.memory_space<hbm>> -> memref<8x128xf32, #tpu.memory_space<hbm>>
    %dma_wait3A_260 = arith.constant 56 : i32
    %dma_wait3A_261 = arith.constant 0 : i32
    %dma_wait3A_262 = tpu.memref_slice %arg10[%dma_wait3A_260, %dma_wait3A_261] : memref<64x128xf32, #tpu.memory_space<vmem>> -> memref<8x128xf32, #tpu.memory_space<vmem>>
    tpu.wait_dma2 semaphore(%arg14 : memref<!tpu.dma_semaphore, #tpu.memory_space<semaphore_mem>>) src(%dma_wait3A_262 : memref<8x128xf32, #tpu.memory_space<vmem>>) dst(%dma_wait3A_259 : memref<8x128xf32, #tpu.memory_space<hbm>>)
    return
  }
}

</mosaic_0001>

<sc_bundles>
// kernel: kernel.3.cloned.1.call-start
scs
__scs_entry_jumppad:
0x0: {  	(pc) =	sbr.rel $0x88, $3  }
0x1: {  	(tag) =	ssettag $0x0;
	lr =	simm.s32 $0x1  }
0x2: {  	[smem:$0x3F9F] =	sst lr;
	_ =	strace $0xD0000000  }
0x3: {  	_ = 	snop  }
0x4: {  	_ = 	snop  }
0x5: {  	_ = 	snop  }
0x6: {  	_ = 	snop  }
0x7: {  	_ = 	snop  }
__scs_overlays_trampoline_lowered:
0x8: {  	[smem:$0x3FAE] =	sst s0  }
0x9: {  	[smem:$0x3FAF] =	sst s1  }
0xa: {  	[smem:$0x3FB0] =	sst s2  }
0xb: {  	[smem:$0x3FB1] =	sst s3  }
0xc: {  	[smem:$0x3FB2] =	sst s4  }
0xd: {  	[smem:$0x3FB3] =	sst s5  }
0xe: {  	[smem:$0x3FB4] =	sst s6  }
0xf: {  	[smem:$0x3FB5] =	sst s7  }
0x10: {  	[smem:$0x3FB6] =	sst s8  }
0x11: {  	[smem:$0x3FB7] =	sst s9;
	s0 =	simm.s32 @!p0 $0x0  }
0x12: {  	s1 =	sld [smem:$0x3F9D];
	s0 =	simm.s32 @p0 $0x1  }
0x13: {  	[smem:$0x3FB8] =	sst s0;
	s0 =	simm.s32 @!p1 $0x0  }
0x14: {  	s2 =	sld [smem:$0x3F9C];
	s0 =	simm.s32 @p1 $0x1  }
0x15: {  	[smem:$0x3FB9] =	sst s0;
	s0 =	simm.s32 @!p2 $0x0  }
0x16: {  	s3 =	sld [smem:$0x3FDB];
	s0 =	simm.s32 @p2 $0x1  }
0x17: {  	s4 =	simm.s32 $0x1BF5;
	[smem:$0x3FBB] =	sst s0  }
0x18: {  	s0 =	sld [smem:$0x3F9E];
	_ =	swait.ge [sflag:s4], $0x0  }
0x19: {  	s7 =	sld [smem:$0x3F9F]  }
0x1a: {  	s8 =	sadd.s32 $0xFFFFE003, lr  }
0x1b: {  	s9 =	sadd.s32 $0xFFFFFEF7, lr;
	s5 =	simm.s32 $0xFFFFFFFF;
	p2 =	slt.u32 s8, $0xFFFFF086  }
0x1c: {  	p1 =	slt.u32 s9, $0xF7A;
	s5 =	simm.s32 @!p2 $0x0  }
0x1d: {  	s5 =	simm.s32 @p1 $0x1;
	p0 =	seq.s32 s7, s2  }
0x1e: {  	s7 =	smul.u32 @!p0 $0xF7A, s2;
	p2 =	seq.s32 @!p0 s5, $0x0  }
0x1f: {  	s9 =	smul.u32 $0xF7A, s1;
	s8 =	simm.s32 @!p0 $0x1BF5;
	p2 =	por !p2, p0  }
0x20: {  	[sflag:s8] =	ssyncset.s32 @!p0 $0xFFFFF086;
	s6 =	sadd.s32 @!p0 s3, s7;
	s7 =	simm.s32 @!p0 $0x108  }
0x21: {  	s3 =	sadd.s32 s3, s9;
	s6 =	sadd.s32 @!p0 $0x88, s6;
	s7 =	simm.s32 @p2 $0x1082  }
0x22: {  	[simem:s7], [sflag:s8] =	dma.local @!p0 [hbm:s6], $0xF7A  }
0x23: {  	s9 =	sor.u32 $0xD0000000, s2;
	s6 =	simm.s32 $0x108;
	_ =	swait.ge @!p0 [sflag:s8], $0x0  }
0x24: {  	s3 =	sadd.s32 $0x88, s3;
	s6 =	simm.s32 @!p1 $0x1082;
	[sflag:s4] =	ssyncset.s32 $0xFFFFF086  }
0x25: {  	[simem:s6], [sflag:s4] =	dma.local [hbm:s3], $0xF7A  }
0x26: {  	[smem:$0x3F9F] =	sst s1;
	(tag) =	ssettag s2;
	_ =	strace s9  }
0x27: {  	s1 =	sld [smem:$0x3FAF]  }
0x28: {  	s2 =	sld [smem:$0x3FB0]  }
0x29: {  	s4 =	sld [smem:$0x3FB2]  }
0x2a: {  	p0 =	seq.s32 s5, $0x0;
	s5 =	sld [smem:$0x3FB3]  }
0x2b: {  	s6 =	sld [smem:$0x3FB4]  }
0x2c: {  	s7 =	sld [smem:$0x3FB5]  }
0x2d: {  	s3 =	simm.s32 $0x108;
	s8 =	sld [smem:$0x3FB6]  }
0x2e: {  	s3 =	simm.s32 @!p0 $0x1082;
	s9 =	sld [smem:$0x3FB7]  }
0x2f: {  	lr =	sadd.s32 s0, s3;
	s0 =	sld [smem:$0x3FAE]  }
0x30: {  	s3 =	sld [smem:$0x3FB1]  }
0x31: {  	[smem:$0x3FBA] =	sst s10  }
0x32: {  	s10 =	sld [smem:$0x3FB8];
	_ =	sdelay $0x3  }
0x33: {  	p0 =	seq.s32 s10, $0x1;
	s10 =	sld [smem:$0x3FBA];
	_ =	sdelay $0x3  }
0x34: {  	[smem:$0x3FBA] =	sst s10  }
0x35: {  	s10 =	sld [smem:$0x3FB9];
	_ =	sdelay $0x3  }
0x36: {  	p1 =	seq.s32 s10, $0x1;
	s10 =	sld [smem:$0x3FBA];
	_ =	sdelay $0x3  }
0x37: {  	[smem:$0x3FBA] =	sst s10  }
0x38: {  	s10 =	sld [smem:$0x3FBB]  }
0x39: {  	_ = 	snop;
	(pc) =	sbr.ind lr, $3  }
0x3a: {  	_ = 	snop  }
0x3b: {  	_ = 	snop  }
0x3c: {  	p2 =	seq.s32 s10, $0x1;
	s10 =	sld [smem:$0x3FBA]  }
0x3d: {  	_ =	shalt  }
0x3e: {  	_ =	shalt  }
0x3f: {  	_ =	shalt  }
0x40: {  	_ =	shalt  }
0x41: {  	_ =	shalt  }
0x42: {  	_ =	shalt  }
0x43: {  	_ =	shalt  }
0x44: {  	_ =	shalt  }
0x45: {  	_ =	shalt  }
0x46: {  	_ =	shalt  }
0x47: {  	_ =	shalt  }
0x48: {  	_ =	shalt  }
0x49: {  	_ =	shalt  }
0x4a: {  	_ =	shalt  }
0x4b: {  	_ =	shalt  }
0x4c: {  	_ =	shalt  }
0x4d: {  	_ =	shalt  }
0x4e: {  	_ =	shalt  }
0x4f: {  	_ =	shalt  }
0x50: {  	_ =	shalt  }
0x51: {  	_ =	shalt  }
0x52: {  	_ =	shalt  }
0x53: {  	_ =	shalt  }
0x54: {  	_ =	shalt  }
0x55: {  	_ =	shalt  }
0x56: {  	_ =	shalt  }
0x57: {  	_ =	shalt  }
0x58: {  	_ =	shalt  }
0x59: {  	_ =	shalt  }
0x5a: {  	_ =	shalt  }
0x5b: {  	_ =	shalt  }
0x5c: {  	_ =	shalt  }
0x5d: {  	_ =	shalt  }
0x5e: {  	_ =	shalt  }
0x5f: {  	_ =	shalt  }
0x60: {  	_ =	shalt  }
0x61: {  	_ =	shalt  }
0x62: {  	_ =	shalt  }
0x63: {  	_ =	shalt  }
0x64: {  	_ =	shalt  }
0x65: {  	_ =	shalt  }
0x66: {  	_ =	shalt  }
0x67: {  	_ =	shalt  }
0x68: {  	_ =	shalt  }
0x69: {  	_ =	shalt  }
0x6a: {  	_ =	shalt  }
0x6b: {  	_ =	shalt  }
0x6c: {  	_ =	shalt  }
0x6d: {  	_ =	shalt  }
0x6e: {  	_ =	shalt  }
0x6f: {  	_ =	shalt  }
0x70: {  	_ =	shalt  }
0x71: {  	_ =	shalt  }
0x72: {  	_ =	shalt  }
0x73: {  	_ =	shalt  }
0x74: {  	_ =	shalt  }
0x75: {  	_ =	shalt  }
0x76: {  	_ =	shalt  }
0x77: {  	_ =	shalt  }
0x78: {  	_ =	shalt  }
0x79: {  	_ =	shalt  }
0x7a: {  	_ =	shalt  }
0x7b: {  	_ =	shalt  }
0x7c: {  	_ =	shalt  }
0x7d: {  	_ =	shalt  }
0x7e: {  	_ =	shalt  }
0x7f: {  	_ =	shalt  }
0x80: {  	_ =	shalt  }
0x81: {  	_ =	shalt  }
0x82: {  	_ =	shalt  }
0x83: {  	_ =	shalt  }
0x84: {  	_ =	shalt  }
0x85: {  	_ =	shalt  }
0x86: {  	_ =	shalt  }
0x87: {  	_ =	shalt  }
.Lfunc_end0:
.L_simem_size_0:
called_computation_lowered:
.L_overlay_start_0:
0x88: {  	s2 =	sld [smem:$0x3FD9]  }
0x89: {  	s3 =	sld [smem:$0x3FFE];
	_ =	sdelay $0x1  }
0x8a: {  	s1 =	srdreg.scid  }
0x8b: {  	s0 =	sand.u32 $0x1, s1  }
0x8c: {  	s17 =	sshll.u32 s0, $0xA;
	s2 =	sadd.s32 s3, s2  }
0x8d: {  	s2 =	sadd.s32 s2, s17  }
0x8e: {  	[smem:$0x3FC6] =	sst s2  }
0x8f: {  	_ = 	snop  }
0x90: {  	s2 =	sld [smem:$0x3FD0];
	(tm) =	ssettm $0x1  }
0x91: {  	s18 =	sld [smem:$0x3FFB];
	_ =	sdelay $0x3  }
0x92: {  	_ =	strace s18  }
0x93: {  	s3 =	sld [smem:$0x3FFC];
	_ =	sdelay $0x3  }
0x94: {  	_ =	strace s3  }
0x95: {  	s3 =	sld [smem:$0x3FFD];
	_ =	sdelay $0x3  }
0x96: {  	_ =	strace s3  }
0x97: {  	_ =	strace $0x8FFFFFFF  }
0x98: {  	s19 =	sld [smem:$0x3FDB];
	_ =	sdelay $0x1  }
0x99: {  	s4 =	simm.s32 $_scs_section_size  }
0x9a: {  	s5 =	simm.s32 $_size__tile_overlayer_lowered;
	s6 =	simm.s32 $_tile_overlayer_lowered  }
0x9b: {  	s22 =	simm.s32 $0x1BFF;
	s21 =	sshll.u32 s6, $0x1;
	s3 =	sadd.s32 s4, s19  }
0x9c: {  	s7 =	simm.s32 $0x0;
	s20 =	sshll.u32 s5, $0x1;
	s5 =	sadd.s32 s21, s3  }
0x9d: {  	[timem:s7], [sflag:s22] =	dma.local [hbm:s5], s20  }
0x9e: {  	_ =	swait.ge [sflag:s22], s20  }
0x9f: {  	s4 =	ssub.s32 $0x0, s20;
	[sflag:s22] =	ssyncset.done $0x0  }
0xa0: {  	[sflag:s22] =	ssyncadd.s32 s4;
	_ =	sdelay $0x1  }
0xa1: {  	s23 =	simm.s32 $0x1B8B  }
0xa2: {  	_ =	swait.ge [sflag:s23], $0x1  }
0xa3: {  	[sflag:s23] =	ssyncset.done $0x0  }
0xa4: {  	s25 =	simm.s32 $0x1B8E;
	s24 =	sld [smem:$0x3FFE];
	[sflag:s23] =	ssyncadd.s32 $0xFFFFFFFF  }
0xa5: {  	s26 =	simm.s32 $execute0_lowered;
	[smem:$0x3FD2] =	sst s25  }
0xa6: {  	s5 =	sshll.u32 s26, $0x1;
	_ =	strace $0x80000046;
	[dreg:$0x1] =	wrdreg $0xFFFFFFFF  }
0xa7: {  	s28 =	simm.s32 $_size_execute0_lowered;
	s3 =	sadd.s32 s3, s5;
	[dreg:$0x0] =	wrdreg $0x0  }
0xa8: {  	s5 =	sshll.u32 s28, $0x1;
	[dreg:$0x2] =	wrdreg s3  }
0xa9: {  	[dreg:$0x3] =	wrdreg s5  }
0xaa: {  	[dreg:$0x4] =	wrdreg $0xC0  }
0xab: {  	_ =	task [dreg:s7], $0x5FFFF  }
0xac: {  	[dreg:$0x1] =	wrdreg $0xFFFFFFFF  }
0xad: {  	[dreg:$0x0] =	wrdreg $0x60  }
0xae: {  	[dreg:$0x2] =	wrdreg s24  }
0xaf: {  	[dreg:$0x3] =	wrdreg s2  }
0xb0: {  	[dreg:$0x4] =	wrdreg $0x9  }
0xb1: {  	_ =	task.clear_ibuf [dreg:s7], $0x5FFFF;
	_ =	strace $0x90000046  }
0xb2: {  	s29 =	simm.s32 $0x9;
	_ =	strace $0x80000048  }
0xb3: {  	_ =	swait.ge [sflag:s29], $0x1  }
0xb4: {  	[sflag:s29] =	ssyncadd.s32 $0xFFFFFFFF  }
0xb5: {  	_ =	strace $0x90000048  }
0xb6: {  	_ =	sfence  }
0xb7: {  	s30 =	sld [smem:$0x0];
	_ =	sdelay $0x2  }
0xb8: {  	s31 =	sshll.u32 s1, $0xD;
	s1 =	sshrl.u32 s1, $0x2  }
0xb9: {  	s3 =	sand.u32 $0x4000, s31;
	s1 =	sadd.s32 s1, s30  }
0xba: {  	s0 =	sor.u32 s3, s0;
	s1 =	sshll.u32 s1, $0x11  }
0xbb: {  	s0 =	sor.u32 s1, s0  }
0xbc: {  	s0 =	sadd.s32 $0x8F2B, s0  }
0xbd: {  	[sflag:s0] =	ssyncadd.remote.s32 $0x1  }
0xbe: {  	_ =	sfence.sel $0xFFFF  }
0xbf: {  	[dreg:$0x0] =	wrdreg $0xFFFFFFFF;
	(pc) =	sbr.abs _section_cstart, $3  }
0xc0: {  	[dreg:$0x1] =	wrdreg $0xFFFFFFFF  }
0xc1: {  	_ =	task.clear_ibuf [dreg:s7], $0x2FFFF;
	_ =	strace $0x9FFFFFFF  }
0xc2: {  	(tm) =	ssettm $0x7FFFFFFF  }
0xc3: {  	_ =	shalt  }
tec
execute0_lowered:
.L_overlay_start_1:
0x0: {  	(tag) =	ssettag $0x1  }
0x1: {  	s0 =	rddreg [dreg:$0x0]  }
0x2: {  	s1 =	rddreg [dreg:$0x1];
	s3 =	simm.s32 $0x0  }
0x3: {  	s2 =	srdreg.scid;
	s5 =	stileid.u32;
	s18 =	simm.s32 $0x5  }
0x4: {  	s19 =	simm.s32 $0x80;
	s20 =	simm.s32 $0x100;
	s21 =	simm.s32 $0x2100  }
0x5: {  	s22 =	simm.s32 $0x1;
	s23 =	simm.s32 $0x4100;
	s29 =	simm.s32 $0x7D00  }
0x6: {  	s17 =	simm.s32 $0x0;
	[smem:$0x7FF] =	sst s3;
	s2 =	sand.u32 $0x1, s2  }
0x7: {  	s4 =	sadd.s32 $0x600, s0;
	s7 =	sshll.u32 s5, $0x1;
	s5 =	sadd.s32 $0xF42A00, s0  }
0x8: {  	s10 =	sadd.s32 $0x1000, s1;
	s11 =	sadd.s32 $0x2000, s1;
	s12 =	sadd.s32 $0x3000, s1  }
0x9: {  	s13 =	sadd.s32 $0x4000, s1;
	s14 =	sadd.s32 $0x5000, s1;
	s15 =	sadd.s32 $0x6000, s1  }
0xa: {  	s16 =	sadd.s32 $0x7000, s1;
	s6 =	ssub.s32 $0x2, s2;
	s2 =	sor.u32 s2, s7  }
0xb: {  	_ =	strace $0x80000047;
	s30 =	sshrl.u32 s6, $0x1;
	s7 =	sshll.u32 s2, $0x4  }
0xc: {  	s0 =	ssub.s32 s6, s30;
	s6 =	sshll.u32 s2, $0x7;
	s7 =	sadd.s32 s4, s7  }
0xd: {  	s9 =	sshll.u32 s2, $0xA;
	[dreg:$0x3] =	wrdreg s7;
	s31 =	sor.u32 $0x2000, s6  }
0xe: {  	v0 =	vlaneseq.u32;
	s2 =	simm.s32 $0x4;
	s0 =	smax.u32 s0, $0x1;
	[dreg:$0x4] =	wrdreg s31  }
0xf: {  	v1 =	vor.u32 $0x78, v0;
	s7 =	simm.s32 $0x6100;
	[dreg:$0x5] =	wrdreg s0;
	s0 =	simm.s32 $0x2  }
.LBB2_1:
0x10: {  	[dreg:$0x6] =	wrdreg s17  }
0x11: {  	s8 =	rddreg [dreg:$0x3]  }
0x12: {  	[tilespmem:s3], [sflag:$0x5] =	stream.linear.gather [hbm4b:s8+s3], $0x80, $0x38;
	[tilespmem:$0x8100] =	vst v63  }
0x13: {  	_ =	swait.ge [sflag:s18], $0x80  }
0x14: {  	[sflag:s18] =	ssyncset.done $0x0  }
0x15: {  	s30 =	simm.s32 $0x0;
	[sflag:s18] =	ssyncadd.s32 $0xFFFFFF80  }
0x16: {  	[tilespmem:s20], [sflag:$0x1] =	stream.indirect.gather [hbm4b:s5+s19], $0x40, s3, s19, $0xb8;
	[tilespmem:$0x8100] =	vst v63  }
.LBB2_2:
0x17: {  	s31 =	sshllo.u32 s30, $0x1  }
0x18: {  	s8 =	sshll.u32 s31, $0xC  }
0x19: {  	s8 =	sor.u32 s6, s8  }
0x1a: {  	s8 =	sshrl.u32 s8, $0x3  }
0x1b: {  	s8 =	sadd.s32 s4, s8  }
0x1c: {  	[tilespmem:s19], [sflag:$0x5] =	stream.linear.gather [hbm4b:s8+s3], $0x80, $0x38;
	[tilespmem:$0x8100] =	vst v63  }
0x1d: {  	_ =	swait.ge [sflag:s18], $0x80  }
0x1e: {  	[sflag:s18] =	ssyncset.done $0x0  }
0x1f: {  	[sflag:s18] =	ssyncadd.s32 $0xFFFFFF80  }
0x20: {  	[tilespmem:s21], [sflag:$0x2] =	stream.indirect.gather [hbm4b:s5+s19], $0x40, s19, s19, $0xb8;
	[tilespmem:$0x8100] =	vst v63  }
0x21: {  	_ =	swait.ge [sflag:s22], $0x2000  }
0x22: {  	p0 =	seq.s32 s30, $0x0;
	[sflag:s22] =	ssyncset.done $0x0  }
0x23: {  	s8 =	simm.s32 @!p0 $0x3;
	[sflag:s22] =	ssyncadd.s32 $0xFFFFE000  }
0x24: {  	_ =	swait.ge @!p0 [sflag:s8], $0x400  }
0x25: {  	[sflag:s8] =	ssyncset.done @!p0 $0x0  }
0x26: {  	[sflag:s8] =	ssyncadd.s32 @!p0 $0xFFFFFC00  }
0x27: {  	_ =	swait.ge @!p0 [sflag:s8], $0x400  }
0x28: {  	[sflag:s8] =	ssyncset.done @!p0 $0x0  }
0x29: {  	[sflag:s8] =	ssyncadd.s32 @!p0 $0xFFFFFC00  }
0x2a: {  	_ =	swait.ge @!p0 [sflag:s8], $0x400  }
0x2b: {  	[sflag:s8] =	ssyncset.done @!p0 $0x0  }
0x2c: {  	[sflag:s8] =	ssyncadd.s32 @!p0 $0xFFFFFC00  }
0x2d: {  	_ =	swait.ge @!p0 [sflag:s8], $0x400  }
0x2e: {  	[sflag:s8] =	ssyncset.done @!p0 $0x0  }
0x2f: {  	[sflag:s8] =	ssyncadd.s32 @!p0 $0xFFFFFC00  }
0x30: {  	_ =	swait.ge @!p0 [sflag:s8], $0x400  }
0x31: {  	[sflag:s8] =	ssyncset.done @!p0 $0x0  }
0x32: {  	[sflag:s8] =	ssyncadd.s32 @!p0 $0xFFFFFC00  }
0x33: {  	_ =	swait.ge @!p0 [sflag:s8], $0x400  }
0x34: {  	[sflag:s8] =	ssyncset.done @!p0 $0x0  }
0x35: {  	[sflag:s8] =	ssyncadd.s32 @!p0 $0xFFFFFC00  }
0x36: {  	_ =	swait.ge @!p0 [sflag:s8], $0x400  }
0x37: {  	[sflag:s8] =	ssyncset.done @!p0 $0x0  }
0x38: {  	[sflag:s8] =	ssyncadd.s32 @!p0 $0xFFFFFC00  }
0x39: {  	_ =	swait.ge @!p0 [sflag:s8], $0x400  }
0x3a: {  	[sflag:s8] =	ssyncset.done @!p0 $0x0  }
0x3b: {  	s17 =	simm.s32 $0x0;
	[sflag:s8] =	ssyncadd.s32 @!p0 $0xFFFFFC00  }
.LBB2_3:
0x3c: {  	s8 =	sshll.u32 s17, $0x4  }
0x3d: {  	v3 =	vor.u32 s8, v0  }
0x3e: {  	s8 =	simm.s32 $0x0;
	v2 =	vshll.u32 v3, $0x6;
	v3 =	vand.u32 v1, v3  }
.LBB2_4:
0x3f: {  	s24 =	simm.s32 $0x0  }
0x40: {  	s25 =	sshll.u32 s8, $0x4;
	v5 =	vadd.s32 s24, v0  }
0x41: {  	v4 =	vmov s25;
	v6 =	vand.u32 $0xF, v5  }
0x42: {  	v6 =	vor.u32 v4, v6  }
0x43: {  	v5 =	vand.u32 $0x7, v5;
	v7 =	vand.u32 $0x38, v6  }
0x44: {  	v5 =	vor.u32 v7, v5  }
0x45: {  	v5 =	vor.u32 v2, v5;
	_ =	sdelay $0x1  }
0x46: {  	s25 =	simm.s32 $0x1  }
0x47: {  	v7 =	vadd.s32 s25, v0  }
0x48: {  	v8 =	vand.u32 $0xF, v7  }
0x49: {  	v8 =	vor.u32 v4, v8;
	v5 =	vld.idx.msk [tilespmem:v5+s20+$0x0], $0xffff  }
0x4a: {  	v6 =	vshll.u32 v6, $0x7;
	v7 =	vand.u32 $0x7, v7;
	v9 =	vand.u32 $0x38, v8  }
0x4b: {  	v6 =	vor.u32 v3, v6;
	v7 =	vor.u32 v9, v7  }
0x4c: {  	v7 =	vor.u32 v2, v7;
	_ =	sdelay $0x1  }
0x4d: {  	s26 =	simm.s32 $0x2;
	v5 =	vmul.f32 $8.000000000e+00, v5  }
0x4e: {  	v9 =	vadd.s32 s26, v0  }
0x4f: {  	[tilespmem:v6+s23+$0x0] =	vst.idx.msk $0xffff, v5;
	v5 =	vand.u32 $0xF, v9  }
0x50: {  	v6 =	vld.idx.msk [tilespmem:v7+s20+$0x0], $0xffff;
	v5 =	vor.u32 v4, v5  }
0x51: {  	v9 =	vand.u32 $0x7, v9;
	v7 =	vshll.u32 v8, $0x7;
	v8 =	vand.u32 $0x38, v5  }
0x52: {  	v7 =	vor.u32 v3, v7;
	v8 =	vor.u32 v8, v9  }
0x53: {  	v8 =	vor.u32 v2, v8;
	_ =	sdelay $0x1  }
0x54: {  	v6 =	vmul.f32 $8.000000000e+00, v6  }
0x55: {  	s28 =	simm.s32 $0x3  }
0x56: {  	v9 =	vadd.s32 s28, v0;
	[tilespmem:v7+s23+$0x0] =	vst.idx.msk $0xffff, v6  }
0x57: {  	v6 =	vand.u32 $0xF, v9;
	v7 =	vld.idx.msk [tilespmem:v8+s20+$0x0], $0xffff  }
0x58: {  	v5 =	vshll.u32 v5, $0x7;
	v6 =	vor.u32 v4, v6  }
0x59: {  	v5 =	vor.u32 v3, v5;
	v9 =	vand.u32 $0x7, v9;
	v8 =	vand.u32 $0x38, v6  }
0x5a: {  	v8 =	vor.u32 v8, v9  }
0x5b: {  	v8 =	vor.u32 v2, v8  }
0x5c: {  	v7 =	vmul.f32 $8.000000000e+00, v7  }
0x5d: {  	s24 =	simm.s32 $0x4  }
0x5e: {  	[tilespmem:v5+s23+$0x0] =	vst.idx.msk $0xffff, v7;
	v5 =	vadd.s32 s24, v0  }
0x5f: {  	v7 =	vand.u32 $0xF, v5  }
0x60: {  	v8 =	vld.idx.msk [tilespmem:v8+s20+$0x0], $0xffff;
	v7 =	vor.u32 v4, v7  }
0x61: {  	v6 =	vshll.u32 v6, $0x7;
	v10 =	vand.u32 $0x7, v5;
	v9 =	vand.u32 $0x38, v7  }
0x62: {  	v5 =	vshll.u32 v7, $0x7;
	v7 =	vor.u32 v3, v6;
	v9 =	vor.u32 v9, v10  }
0x63: {  	v6 =	vor.u32 v2, v9;
	_ =	sdelay $0x1  }
0x64: {  	v8 =	vmul.f32 $8.000000000e+00, v8  }
0x65: {  	s25 =	simm.s32 $0x8;
	s26 =	simm.s32 $0x5  }
.LBB2_5:
0x66: {  	p1 =	slt.u32 s25, $0xC;
	v9 =	vadd.s32 s26, v0;
	[tilespmem:v7+s23+$0x0] =	vst.idx.msk $0xffff, v8;
	s26 =	smov.u32 s25;
	s25 =	sadd.s32 $0x4, s25  }
0x67: {  	v6 =	vld.idx.msk [tilespmem:v6+s20+$0x0], $0xffff;
	v7 =	vand.u32 $0xF, v9  }
0x68: {  	v7 =	vor.u32 v4, v7  }
0x69: {  	v9 =	vand.u32 $0x7, v9;
	v8 =	vand.u32 $0x38, v7;
	v7 =	vshll.u32 v7, $0x7  }
0x6a: {  	v5 =	vor.u32 v3, v5;
	v8 =	vor.u32 v8, v9  }
0x6b: {  	v8 =	vor.u32 v2, v8;
	_ =	sdelay $0x1  }
0x6c: {  	v6 =	vmul.f32 $8.000000000e+00, v6  }
0x6d: {  	s28 =	sadd.s32 $0x2, s24  }
0x6e: {  	[tilespmem:v5+s23+$0x0] =	vst.idx.msk $0xffff, v6;
	v5 =	vadd.s32 s28, v0  }
0x6f: {  	v6 =	vld.idx.msk [tilespmem:v8+s20+$0x0], $0xffff;
	v8 =	vand.u32 $0xF, v5  }
0x70: {  	v8 =	vor.u32 v4, v8  }
0x71: {  	v5 =	vand.u32 $0x7, v5;
	v9 =	vand.u32 $0x38, v8;
	v8 =	vshll.u32 v8, $0x7  }
0x72: {  	v7 =	vor.u32 v3, v7;
	v5 =	vor.u32 v9, v5  }
0x73: {  	v5 =	vor.u32 v2, v5;
	_ =	sdelay $0x1  }
0x74: {  	v6 =	vmul.f32 $8.000000000e+00, v6  }
0x75: {  	s28 =	sadd.s32 $0x3, s24;
	s24 =	smov.u32 s26  }
0x76: {  	[tilespmem:v7+s23+$0x0] =	vst.idx.msk $0xffff, v6;
	v6 =	vadd.s32 s28, v0  }
0x77: {  	v5 =	vld.idx.msk [tilespmem:v5+s20+$0x0], $0xffff;
	v7 =	vand.u32 $0xF, v6  }
0x78: {  	v7 =	vor.u32 v4, v7  }
0x79: {  	v6 =	vand.u32 $0x7, v6;
	v9 =	vand.u32 $0x38, v7;
	v7 =	vshll.u32 v7, $0x7  }
0x7a: {  	v8 =	vor.u32 v3, v8;
	v6 =	vor.u32 v9, v6  }
0x7b: {  	v6 =	vor.u32 v2, v6;
	_ =	sdelay $0x1  }
0x7c: {  	v5 =	vmul.f32 $8.000000000e+00, v5;
	_ =	sdelay $0x1  }
0x7d: {  	v9 =	vadd.s32 s24, v0;
	[tilespmem:v8+s23+$0x0] =	vst.idx.msk $0xffff, v5  }
0x7e: {  	v5 =	vand.u32 $0xF, v9;
	v8 =	vld.idx.msk [tilespmem:v6+s20+$0x0], $0xffff  }
0x7f: {  	v5 =	vor.u32 v4, v5  }
0x80: {  	v9 =	vand.u32 $0x7, v9;
	v6 =	vand.u32 $0x38, v5;
	v5 =	vshll.u32 v5, $0x7  }
.Ltmp0:
0x81: {  	v7 =	vor.u32 v3, v7;
	v6 =	vor.u32 v6, v9;
	(pc) =	sbr.rel @p1 .LBB2_5-.Ltmp0, $3  }
0x82: {  	v6 =	vor.u32 v2, v6;
	_ =	sdelay $0x1  }
0x83: {  	v8 =	vmul.f32 $8.000000000e+00, v8  }
0x84: {  	s26 =	sadd.s32 $0x1, s24  }
0x85: {  	_ =	sdelay $0x2  }
0x86: {  	v9 =	vadd.s32 s26, v0  }
0x87: {  	[tilespmem:v7+s23+$0x0] =	vst.idx.msk $0xffff, v8;
	v57 =	vand.u32 $0xF, v9  }
0x88: {  	v6 =	vld.idx.msk [tilespmem:v6+s20+$0x0], $0xffff;
	v7 =	vor.u32 v4, v57  }
0x89: {  	v9 =	vand.u32 $0x7, v9;
	v58 =	vand.u32 $0x38, v7  }
0x8a: {  	v5 =	vor.u32 v3, v5;
	v8 =	vor.u32 v58, v9  }
0x8b: {  	v8 =	vor.u32 v2, v8;
	_ =	sdelay $0x1  }
0x8c: {  	s25 =	sadd.s32 $0x2, s24;
	v6 =	vmul.f32 $8.000000000e+00, v6  }
0x8d: {  	v59 =	vadd.s32 s25, v0  }
0x8e: {  	[tilespmem:v5+s23+$0x0] =	vst.idx.msk $0xffff, v6;
	v5 =	vand.u32 $0xF, v59  }
0x8f: {  	v5 =	vor.u32 v4, v5;
	v6 =	vld.idx.msk [tilespmem:v8+s20+$0x0], $0xffff  }
0x90: {  	v7 =	vshll.u32 v7, $0x7;
	v9 =	vand.u32 $0x7, v59;
	v60 =	vand.u32 $0x38, v5  }
0x91: {  	v7 =	vor.u32 v3, v7;
	v8 =	vor.u32 v60, v9  }
0x92: {  	v8 =	vor.u32 v2, v8;
	_ =	sdelay $0x1  }
0x93: {  	s28 =	sadd.s32 $0x3, s24;
	v6 =	vmul.f32 $8.000000000e+00, v6  }
0x94: {  	v61 =	vadd.s32 s28, v0  }
0x95: {  	v62 =	vand.u32 $0xF, v61;
	[tilespmem:v7+s23+$0x0] =	vst.idx.msk $0xffff, v6  }
0x96: {  	v4 =	vor.u32 v4, v62;
	v7 =	vld.idx.msk [tilespmem:v8+s20+$0x0], $0xffff  }
0x97: {  	v63 =	vand.u32 $0x7, v61;
	v5 =	vshll.u32 v5, $0x7;
	v6 =	vand.u32 $0x38, v4  }
0x98: {  	v5 =	vor.u32 v3, v5;
	v6 =	vor.u32 v6, v63  }
0x99: {  	v6 =	vor.u32 v2, v6;
	_ =	sdelay $0x1  }
0x9a: {  	v7 =	vmul.f32 $8.000000000e+00, v7;
	_ =	sdelay $0x1  }
0x9b: {  	[tilespmem:v5+s23+$0x0] =	vst.idx.msk $0xffff, v7  }
0x9c: {  	v5 =	vld.idx.msk [tilespmem:v6+s20+$0x0], $0xffff  }
0x9d: {  	s8 =	sadd.s32 $0x1, s8;
	v4 =	vshll.u32 v4, $0x7  }
0x9e: {  	p1 =	sne.s32 s8, $0x4;
	v4 =	vor.u32 v3, v4  }
.Ltmp1:
0x9f: {  	_ = 	snop;
	(pc) =	sbr.rel @p1 .LBB2_4-.Ltmp1, $3  }
0xa0: {  	_ = 	snop  }
0xa1: {  	v5 =	vmul.f32 $8.000000000e+00, v5;
	_ =	sdelay $0x1  }
0xa2: {  	[tilespmem:v4+s23+$0x0] =	vst.idx.msk $0xffff, v5  }
0xa3: {  	s17 =	sadd.s32 $0x1, s17  }
0xa4: {  	p1 =	sne.s32 s17, $0x8  }
.Ltmp2:
0xa5: {  	_ = 	snop;
	(pc) =	sbr.rel @p1 .LBB2_3-.Ltmp2, $1  }
0xa6: {  	_ =	sdelay $0x3  }
0xa7: {  	s8 =	sshll.u32 s30, $0x13  }
0xa8: {  	s8 =	sor.u32 s9, s8  }
0xa9: {  	s8 =	sshrl.u32 s8, $0x3  }
0xaa: {  	s17 =	sadd.s32 s1, s8  }
0xab: {  	[hbm4b:s17+s3] =	stream.linear.scatter [tilespmem:s23], [sflag:$0x3], $0x400, $0x38;
	[tilespmem:$0x8100] =	vst v63  }
0xac: {  	s24 =	simm.s32 $0x4500;
	s28 =	sadd.s32 s8, s10  }
0xad: {  	[hbm4b:s28+s3] =	stream.linear.scatter [tilespmem:s24], [sflag:$0x3], $0x400, $0x38;
	[tilespmem:$0x8100] =	vst v63  }
0xae: {  	s25 =	simm.s32 $0x4900;
	s24 =	sadd.s32 s8, s11  }
0xaf: {  	[hbm4b:s24+s3] =	stream.linear.scatter [tilespmem:s25], [sflag:$0x3], $0x400, $0x38;
	[tilespmem:$0x8100] =	vst v63  }
0xb0: {  	s26 =	sadd.s32 s8, s12;
	s28 =	simm.s32 $0x4D00  }
0xb1: {  	[hbm4b:s26+s3] =	stream.linear.scatter [tilespmem:s28], [sflag:$0x3], $0x400, $0x38;
	[tilespmem:$0x8100] =	vst v63  }
0xb2: {  	s24 =	sadd.s32 s8, s13;
	s25 =	simm.s32 $0x5100  }
0xb3: {  	[hbm4b:s24+s3] =	stream.linear.scatter [tilespmem:s25], [sflag:$0x3], $0x400, $0x38;
	[tilespmem:$0x8100] =	vst v63  }
0xb4: {  	p1 =	sne.s32 s30, $0x18;
	s26 =	sadd.s32 s8, s14;
	s28 =	simm.s32 $0x5500  }
0xb5: {  	[hbm4b:s26+s3] =	stream.linear.scatter [tilespmem:s28], [sflag:$0x3], $0x400, $0x38;
	[tilespmem:$0x8100] =	vst v63  }
.Ltmp3:
0xb6: {  	_ = 	snop;
	(pc) =	sbr.rel @p1 .LBB2_10-.Ltmp3, $4  }
0xb7: {  	s25 =	sadd.s32 s8, s15;
	s26 =	simm.s32 $0x5900  }
0xb8: {  	[hbm4b:s25+s3] =	stream.linear.scatter [tilespmem:s26], [sflag:$0x3], $0x400, $0x38;
	[tilespmem:$0x8100] =	vst v63  }
0xb9: {  	s8 =	sadd.s32 s8, s16;
	s28 =	simm.s32 $0x5D00  }
0xba: {  	[hbm4b:s8+s3] =	stream.linear.scatter [tilespmem:s28], [sflag:$0x3], $0x400, $0x38;
	[tilespmem:$0x8100] =	vst v63  }
.Ltmp4:
0xbb: {  	(pc) =	sbr.rel .LBB2_11-.Ltmp4, $4  }
0xbc: {  	_ = 	snop  }
0xbd: {  	_ =	swait.ge [sflag:s0], $0x2000  }
0xbe: {  	[sflag:s0] =	ssyncset.done $0x0  }
0xbf: {  	[sflag:s0] =	ssyncadd.s32 $0xFFFFE000  }
.LBB2_10:
0xc0: {  	s8 =	sshll.u32 s30, $0xD;
	s17 =	rddreg [dreg:$0x4]  }
0xc1: {  	s8 =	sadd.s32 s17, s8  }
0xc2: {  	s8 =	sshrl.u32 s8, $0x3  }
0xc3: {  	s8 =	sadd.s32 s4, s8  }
0xc4: {  	[tilespmem:s3], [sflag:$0x5] =	stream.linear.gather [hbm4b:s8+s3], $0x80, $0x38;
	[tilespmem:$0x8100] =	vst v63  }
0xc5: {  	_ =	swait.ge [sflag:s18], $0x80  }
0xc6: {  	[sflag:s18] =	ssyncset.done $0x0  }
.Ltmp5:
0xc7: {  	[sflag:s18] =	ssyncadd.s32 $0xFFFFFF80;
	(pc) =	sbr.rel @p0 .LBB2_12-.Ltmp5, $4  }
0xc8: {  	[tilespmem:s20], [sflag:$0x1] =	stream.indirect.gather [hbm4b:s5+s19], $0x40, s3, s19, $0xb8;
	[tilespmem:$0x8100] =	vst v63  }
0xc9: {  	_ =	swait.ge [sflag:s0], $0x2000  }
0xca: {  	[sflag:s0] =	ssyncset.done $0x0  }
0xcb: {  	[sflag:s0] =	ssyncadd.s32 $0xFFFFE000  }
.LBB2_11:
0xcc: {  	_ =	swait.ge [sflag:s2], $0x400  }
0xcd: {  	[sflag:s2] =	ssyncset.done $0x0  }
0xce: {  	[sflag:s2] =	ssyncadd.s32 $0xFFFFFC00  }
0xcf: {  	_ =	swait.ge [sflag:s2], $0x400  }
0xd0: {  	[sflag:s2] =	ssyncset.done $0x0  }
0xd1: {  	[sflag:s2] =	ssyncadd.s32 $0xFFFFFC00  }
0xd2: {  	_ =	swait.ge [sflag:s2], $0x400  }
0xd3: {  	[sflag:s2] =	ssyncset.done $0x0  }
0xd4: {  	[sflag:s2] =	ssyncadd.s32 $0xFFFFFC00  }
0xd5: {  	_ =	swait.ge [sflag:s2], $0x400  }
0xd6: {  	[sflag:s2] =	ssyncset.done $0x0  }
0xd7: {  	[sflag:s2] =	ssyncadd.s32 $0xFFFFFC00  }
0xd8: {  	_ =	swait.ge [sflag:s2], $0x400  }
0xd9: {  	[sflag:s2] =	ssyncset.done $0x0  }
0xda: {  	[sflag:s2] =	ssyncadd.s32 $0xFFFFFC00  }
0xdb: {  	_ =	swait.ge [sflag:s2], $0x400  }
0xdc: {  	[sflag:s2] =	ssyncset.done $0x0  }
0xdd: {  	[sflag:s2] =	ssyncadd.s32 $0xFFFFFC00  }
0xde: {  	_ =	swait.ge [sflag:s2], $0x400  }
0xdf: {  	[sflag:s2] =	ssyncset.done $0x0  }
0xe0: {  	[sflag:s2] =	ssyncadd.s32 $0xFFFFFC00  }
0xe1: {  	_ =	swait.ge [sflag:s2], $0x400  }
0xe2: {  	[sflag:s2] =	ssyncset.done $0x0  }
0xe3: {  	[sflag:s2] =	ssyncadd.s32 $0xFFFFFC00  }
.LBB2_12:
0xe4: {  	s17 =	simm.s32 $0x0  }
.LBB2_13:
0xe5: {  	s8 =	sshll.u32 s17, $0x4  }
0xe6: {  	v3 =	vor.u32 s8, v0  }
0xe7: {  	s8 =	simm.s32 $0x0;
	v2 =	vshll.u32 v3, $0x6;
	v3 =	vand.u32 v1, v3  }
.LBB2_14:
0xe8: {  	s24 =	simm.s32 $0x0  }
0xe9: {  	s25 =	sshll.u32 s8, $0x4;
	v5 =	vadd.s32 s24, v0  }
0xea: {  	v4 =	vmov s25;
	v6 =	vand.u32 $0xF, v5  }
0xeb: {  	v6 =	vor.u32 v4, v6  }
0xec: {  	v5 =	vand.u32 $0x7, v5;
	v7 =	vand.u32 $0x38, v6  }
0xed: {  	v5 =	vor.u32 v7, v5  }
0xee: {  	v5 =	vor.u32 v2, v5;
	_ =	sdelay $0x1  }
0xef: {  	s25 =	simm.s32 $0x1  }
0xf0: {  	v7 =	vadd.s32 s25, v0  }
0xf1: {  	v8 =	vand.u32 $0xF, v7  }
0xf2: {  	v8 =	vor.u32 v4, v8;
	v5 =	vld.idx.msk [tilespmem:v5+s21+$0x0], $0xffff  }
0xf3: {  	v6 =	vshll.u32 v6, $0x7;
	v7 =	vand.u32 $0x7, v7;
	v9 =	vand.u32 $0x38, v8  }
0xf4: {  	v6 =	vor.u32 v3, v6;
	v7 =	vor.u32 v9, v7  }
0xf5: {  	v7 =	vor.u32 v2, v7;
	_ =	sdelay $0x1  }
0xf6: {  	s26 =	simm.s32 $0x2;
	v5 =	vmul.f32 $8.000000000e+00, v5  }
0xf7: {  	v9 =	vadd.s32 s26, v0  }
0xf8: {  	[tilespmem:v6+s7+$0x0] =	vst.idx.msk $0xffff, v5;
	v5 =	vand.u32 $0xF, v9  }
0xf9: {  	v6 =	vld.idx.msk [tilespmem:v7+s21+$0x0], $0xffff;
	v5 =	vor.u32 v4, v5  }
0xfa: {  	v9 =	vand.u32 $0x7, v9;
	v7 =	vshll.u32 v8, $0x7;
	v8 =	vand.u32 $0x38, v5  }
0xfb: {  	v7 =	vor.u32 v3, v7;
	v8 =	vor.u32 v8, v9  }
0xfc: {  	v8 =	vor.u32 v2, v8;
	_ =	sdelay $0x1  }
0xfd: {  	v6 =	vmul.f32 $8.000000000e+00, v6  }
0xfe: {  	s28 =	simm.s32 $0x3  }
0xff: {  	v9 =	vadd.s32 s28, v0;
	[tilespmem:v7+s7+$0x0] =	vst.idx.msk $0xffff, v6  }
0x100: {  	v6 =	vand.u32 $0xF, v9;
	v7 =	vld.idx.msk [tilespmem:v8+s21+$0x0], $0xffff  }
0x101: {  	v5 =	vshll.u32 v5, $0x7;
	v6 =	vor.u32 v4, v6  }
0x102: {  	v5 =	vor.u32 v3, v5;
	v9 =	vand.u32 $0x7, v9;
	v8 =	vand.u32 $0x38, v6  }
0x103: {  	v8 =	vor.u32 v8, v9  }
0x104: {  	v8 =	vor.u32 v2, v8  }
0x105: {  	v7 =	vmul.f32 $8.000000000e+00, v7  }
0x106: {  	s24 =	simm.s32 $0x4  }
0x107: {  	[tilespmem:v5+s7+$0x0] =	vst.idx.msk $0xffff, v7;
	v5 =	vadd.s32 s24, v0  }
0x108: {  	v7 =	vand.u32 $0xF, v5  }
0x109: {  	v8 =	vld.idx.msk [tilespmem:v8+s21+$0x0], $0xffff;
	v7 =	vor.u32 v4, v7  }
0x10a: {  	v6 =	vshll.u32 v6, $0x7;
	v10 =	vand.u32 $0x7, v5;
	v9 =	vand.u32 $0x38, v7  }
0x10b: {  	v5 =	vshll.u32 v7, $0x7;
	v7 =	vor.u32 v3, v6;
	v9 =	vor.u32 v9, v10  }
0x10c: {  	v6 =	vor.u32 v2, v9;
	_ =	sdelay $0x1  }
0x10d: {  	v8 =	vmul.f32 $8.000000000e+00, v8  }
0x10e: {  	s25 =	simm.s32 $0x8;
	s26 =	simm.s32 $0x5  }
.LBB2_15:
0x10f: {  	p0 =	slt.u32 s25, $0xC;
	v9 =	vadd.s32 s26, v0;
	[tilespmem:v7+s7+$0x0] =	vst.idx.msk $0xffff, v8;
	s26 =	smov.u32 s25;
	s25 =	sadd.s32 $0x4, s25  }
0x110: {  	v6 =	vld.idx.msk [tilespmem:v6+s21+$0x0], $0xffff;
	v7 =	vand.u32 $0xF, v9  }
0x111: {  	v7 =	vor.u32 v4, v7  }
0x112: {  	v9 =	vand.u32 $0x7, v9;
	v8 =	vand.u32 $0x38, v7;
	v7 =	vshll.u32 v7, $0x7  }
0x113: {  	v5 =	vor.u32 v3, v5;
	v8 =	vor.u32 v8, v9  }
0x114: {  	v8 =	vor.u32 v2, v8;
	_ =	sdelay $0x1  }
0x115: {  	v6 =	vmul.f32 $8.000000000e+00, v6  }
0x116: {  	s28 =	sadd.s32 $0x2, s24  }
0x117: {  	[tilespmem:v5+s7+$0x0] =	vst.idx.msk $0xffff, v6;
	v5 =	vadd.s32 s28, v0  }
0x118: {  	v6 =	vld.idx.msk [tilespmem:v8+s21+$0x0], $0xffff;
	v8 =	vand.u32 $0xF, v5  }
0x119: {  	v8 =	vor.u32 v4, v8  }
0x11a: {  	v5 =	vand.u32 $0x7, v5;
	v9 =	vand.u32 $0x38, v8;
	v8 =	vshll.u32 v8, $0x7  }
0x11b: {  	v7 =	vor.u32 v3, v7;
	v5 =	vor.u32 v9, v5  }
0x11c: {  	v5 =	vor.u32 v2, v5;
	_ =	sdelay $0x1  }
0x11d: {  	v6 =	vmul.f32 $8.000000000e+00, v6  }
0x11e: {  	s28 =	sadd.s32 $0x3, s24;
	s24 =	smov.u32 s26  }
0x11f: {  	[tilespmem:v7+s7+$0x0] =	vst.idx.msk $0xffff, v6;
	v6 =	vadd.s32 s28, v0  }
0x120: {  	v5 =	vld.idx.msk [tilespmem:v5+s21+$0x0], $0xffff;
	v7 =	vand.u32 $0xF, v6  }
0x121: {  	v7 =	vor.u32 v4, v7  }
0x122: {  	v6 =	vand.u32 $0x7, v6;
	v9 =	vand.u32 $0x38, v7;
	v7 =	vshll.u32 v7, $0x7  }
0x123: {  	v8 =	vor.u32 v3, v8;
	v6 =	vor.u32 v9, v6  }
0x124: {  	v6 =	vor.u32 v2, v6;
	_ =	sdelay $0x1  }
0x125: {  	v5 =	vmul.f32 $8.000000000e+00, v5;
	_ =	sdelay $0x1  }
0x126: {  	v9 =	vadd.s32 s24, v0;
	[tilespmem:v8+s7+$0x0] =	vst.idx.msk $0xffff, v5  }
0x127: {  	v5 =	vand.u32 $0xF, v9;
	v8 =	vld.idx.msk [tilespmem:v6+s21+$0x0], $0xffff  }
0x128: {  	v5 =	vor.u32 v4, v5  }
0x129: {  	v9 =	vand.u32 $0x7, v9;
	v6 =	vand.u32 $0x38, v5;
	v5 =	vshll.u32 v5, $0x7  }
.Ltmp6:
0x12a: {  	v7 =	vor.u32 v3, v7;
	v6 =	vor.u32 v6, v9;
	(pc) =	sbr.rel @p0 .LBB2_15-.Ltmp6, $3  }
0x12b: {  	v6 =	vor.u32 v2, v6;
	_ =	sdelay $0x1  }
0x12c: {  	v8 =	vmul.f32 $8.000000000e+00, v8  }
0x12d: {  	s26 =	sadd.s32 $0x1, s24  }
0x12e: {  	_ =	sdelay $0x2  }
0x12f: {  	v9 =	vadd.s32 s26, v0  }
0x130: {  	[tilespmem:v7+s7+$0x0] =	vst.idx.msk $0xffff, v8;
	v57 =	vand.u32 $0xF, v9  }
0x131: {  	v6 =	vld.idx.msk [tilespmem:v6+s21+$0x0], $0xffff;
	v7 =	vor.u32 v4, v57  }
0x132: {  	v9 =	vand.u32 $0x7, v9;
	v58 =	vand.u32 $0x38, v7  }
0x133: {  	v5 =	vor.u32 v3, v5;
	v8 =	vor.u32 v58, v9  }
0x134: {  	v8 =	vor.u32 v2, v8;
	_ =	sdelay $0x1  }
0x135: {  	s25 =	sadd.s32 $0x2, s24;
	v6 =	vmul.f32 $8.000000000e+00, v6  }
0x136: {  	v59 =	vadd.s32 s25, v0  }
0x137: {  	[tilespmem:v5+s7+$0x0] =	vst.idx.msk $0xffff, v6;
	v5 =	vand.u32 $0xF, v59  }
0x138: {  	v5 =	vor.u32 v4, v5;
	v6 =	vld.idx.msk [tilespmem:v8+s21+$0x0], $0xffff  }
0x139: {  	v7 =	vshll.u32 v7, $0x7;
	v9 =	vand.u32 $0x7, v59;
	v60 =	vand.u32 $0x38, v5  }
0x13a: {  	v7 =	vor.u32 v3, v7;
	v8 =	vor.u32 v60, v9  }
0x13b: {  	v8 =	vor.u32 v2, v8;
	_ =	sdelay $0x1  }
0x13c: {  	s28 =	sadd.s32 $0x3, s24;
	v6 =	vmul.f32 $8.000000000e+00, v6  }
0x13d: {  	v61 =	vadd.s32 s28, v0  }
0x13e: {  	v62 =	vand.u32 $0xF, v61;
	[tilespmem:v7+s7+$0x0] =	vst.idx.msk $0xffff, v6  }
0x13f: {  	v4 =	vor.u32 v4, v62;
	v7 =	vld.idx.msk [tilespmem:v8+s21+$0x0], $0xffff  }
0x140: {  	v63 =	vand.u32 $0x7, v61;
	v5 =	vshll.u32 v5, $0x7;
	v6 =	vand.u32 $0x38, v4  }
0x141: {  	v5 =	vor.u32 v3, v5;
	v6 =	vor.u32 v6, v63  }
0x142: {  	v6 =	vor.u32 v2, v6;
	_ =	sdelay $0x1  }
0x143: {  	v7 =	vmul.f32 $8.000000000e+00, v7;
	_ =	sdelay $0x1  }
0x144: {  	[tilespmem:v5+s7+$0x0] =	vst.idx.msk $0xffff, v7  }
0x145: {  	v5 =	vld.idx.msk [tilespmem:v6+s21+$0x0], $0xffff  }
0x146: {  	s8 =	sadd.s32 $0x1, s8;
	v4 =	vshll.u32 v4, $0x7  }
0x147: {  	p0 =	sne.s32 s8, $0x4;
	v4 =	vor.u32 v3, v4  }
.Ltmp7:
0x148: {  	_ = 	snop;
	(pc) =	sbr.rel @p0 .LBB2_14-.Ltmp7, $3  }
0x149: {  	_ = 	snop  }
0x14a: {  	v5 =	vmul.f32 $8.000000000e+00, v5;
	_ =	sdelay $0x1  }
0x14b: {  	[tilespmem:v4+s7+$0x0] =	vst.idx.msk $0xffff, v5  }
0x14c: {  	s17 =	sadd.s32 $0x1, s17  }
0x14d: {  	p0 =	sne.s32 s17, $0x8  }
.Ltmp8:
0x14e: {  	_ = 	snop;
	(pc) =	sbr.rel @p0 .LBB2_13-.Ltmp8, $1  }
0x14f: {  	_ =	sdelay $0x3  }
0x150: {  	s8 =	sshll.u32 s31, $0x12  }
0x151: {  	s8 =	sor.u32 s9, s8  }
0x152: {  	s8 =	sshrl.u32 s8, $0x3  }
0x153: {  	s17 =	sadd.s32 s1, s8  }
0x154: {  	[hbm4b:s17+s3] =	stream.linear.scatter [tilespmem:s7], [sflag:$0x4], $0x400, $0x38;
	[tilespmem:$0x8100] =	vst v63  }
0x155: {  	s24 =	simm.s32 $0x6500;
	s26 =	sadd.s32 s8, s10  }
0x156: {  	[hbm4b:s26+s3] =	stream.linear.scatter [tilespmem:s24], [sflag:$0x4], $0x400, $0x38;
	[tilespmem:$0x8100] =	vst v63  }
0x157: {  	s31 =	simm.s32 $0x6900;
	s28 =	sadd.s32 s8, s11  }
0x158: {  	[hbm4b:s28+s3] =	stream.linear.scatter [tilespmem:s31], [sflag:$0x4], $0x400, $0x38;
	[tilespmem:$0x8100] =	vst v63  }
0x159: {  	s25 =	sadd.s32 s8, s12;
	s26 =	simm.s32 $0x6D00  }
0x15a: {  	[hbm4b:s25+s3] =	stream.linear.scatter [tilespmem:s26], [sflag:$0x4], $0x400, $0x38;
	[tilespmem:$0x8100] =	vst v63  }
0x15b: {  	s30 =	sadd.s32 $0x1, s30;
	s28 =	sadd.s32 s8, s13;
	s31 =	simm.s32 $0x7100  }
0x15c: {  	[hbm4b:s28+s3] =	stream.linear.scatter [tilespmem:s31], [sflag:$0x4], $0x400, $0x38;
	[tilespmem:$0x8100] =	vst v63  }
0x15d: {  	p0 =	sne.s32 s30, $0x19;
	s25 =	sadd.s32 s8, s14;
	s26 =	simm.s32 $0x7500  }
0x15e: {  	[hbm4b:s25+s3] =	stream.linear.scatter [tilespmem:s26], [sflag:$0x4], $0x400, $0x38;
	[tilespmem:$0x8100] =	vst v63  }
.Ltmp9:
0x15f: {  	_ = 	snop;
	(pc) =	sbr.rel @p0 .LBB2_2-.Ltmp9, $4  }
0x160: {  	s28 =	sadd.s32 s8, s15;
	s31 =	simm.s32 $0x7900  }
0x161: {  	[hbm4b:s28+s3] =	stream.linear.scatter [tilespmem:s31], [sflag:$0x4], $0x400, $0x38;
	[tilespmem:$0x8100] =	vst v63  }
0x162: {  	s8 =	sadd.s32 s8, s16  }
0x163: {  	[hbm4b:s8+s3] =	stream.linear.scatter [tilespmem:s29], [sflag:$0x4], $0x400, $0x38;
	[tilespmem:$0x8100] =	vst v63  }
0x164: {  	s8 =	simm.s32 $0x3  }
0x165: {  	_ =	swait.ge [sflag:s8], $0x400  }
0x166: {  	[sflag:s8] =	ssyncset.done $0x0  }
0x167: {  	[sflag:s8] =	ssyncadd.s32 $0xFFFFFC00  }
0x168: {  	_ =	swait.ge [sflag:s8], $0x400  }
0x169: {  	[sflag:s8] =	ssyncset.done $0x0  }
0x16a: {  	[sflag:s8] =	ssyncadd.s32 $0xFFFFFC00  }
0x16b: {  	_ =	swait.ge [sflag:s8], $0x400  }
0x16c: {  	[sflag:s8] =	ssyncset.done $0x0  }
0x16d: {  	[sflag:s8] =	ssyncadd.s32 $0xFFFFFC00  }
0x16e: {  	_ =	swait.ge [sflag:s8], $0x400  }
0x16f: {  	[sflag:s8] =	ssyncset.done $0x0  }
0x170: {  	[sflag:s8] =	ssyncadd.s32 $0xFFFFFC00  }
0x171: {  	_ =	swait.ge [sflag:s8], $0x400  }
0x172: {  	[sflag:s8] =	ssyncset.done $0x0  }
0x173: {  	[sflag:s8] =	ssyncadd.s32 $0xFFFFFC00  }
0x174: {  	_ =	swait.ge [sflag:s8], $0x400  }
0x175: {  	[sflag:s8] =	ssyncset.done $0x0  }
0x176: {  	[sflag:s8] =	ssyncadd.s32 $0xFFFFFC00  }
0x177: {  	_ =	swait.ge [sflag:s8], $0x400  }
0x178: {  	[sflag:s8] =	ssyncset.done $0x0  }
0x179: {  	[sflag:s8] =	ssyncadd.s32 $0xFFFFFC00  }
0x17a: {  	_ =	swait.ge [sflag:s8], $0x400  }
0x17b: {  	[sflag:s8] =	ssyncset.done $0x0  }
0x17c: {  	[sflag:s8] =	ssyncadd.s32 $0xFFFFFC00  }
0x17d: {  	_ =	swait.ge [sflag:s2], $0x400  }
0x17e: {  	[sflag:s2] =	ssyncset.done $0x0  }
0x17f: {  	[sflag:s2] =	ssyncadd.s32 $0xFFFFFC00  }
0x180: {  	_ =	swait.ge [sflag:s2], $0x400  }
0x181: {  	[sflag:s2] =	ssyncset.done $0x0  }
0x182: {  	[sflag:s2] =	ssyncadd.s32 $0xFFFFFC00  }
0x183: {  	_ =	swait.ge [sflag:s2], $0x400  }
0x184: {  	[sflag:s2] =	ssyncset.done $0x0  }
0x185: {  	[sflag:s2] =	ssyncadd.s32 $0xFFFFFC00  }
0x186: {  	_ =	swait.ge [sflag:s2], $0x400  }
0x187: {  	[sflag:s2] =	ssyncset.done $0x0  }
0x188: {  	[sflag:s2] =	ssyncadd.s32 $0xFFFFFC00  }
0x189: {  	_ =	swait.ge [sflag:s2], $0x400  }
0x18a: {  	[sflag:s2] =	ssyncset.done $0x0  }
0x18b: {  	[sflag:s2] =	ssyncadd.s32 $0xFFFFFC00  }
0x18c: {  	_ =	swait.ge [sflag:s2], $0x400  }
0x18d: {  	[sflag:s2] =	ssyncset.done $0x0  }
0x18e: {  	[sflag:s2] =	ssyncadd.s32 $0xFFFFFC00  }
0x18f: {  	_ =	swait.ge [sflag:s2], $0x400  }
0x190: {  	[sflag:s2] =	ssyncset.done $0x0  }
0x191: {  	[sflag:s2] =	ssyncadd.s32 $0xFFFFFC00  }
0x192: {  	_ =	swait.ge [sflag:s2], $0x400  }
0x193: {  	s17 =	rddreg [dreg:$0x6]  }
0x194: {  	s31 =	rddreg [dreg:$0x5];
	s17 =	sadd.s32 $0x1, s17  }
0x195: {  	p0 =	sne.s32 s17, s31  }
.Ltmp10:
0x196: {  	_ = 	snop;
	(pc) =	sbr.rel @p0 .LBB2_1-.Ltmp10, $3  }
0x197: {  	_ =	sdelay $0x1  }
0x198: {  	[sflag:s2] =	ssyncset.done $0x0  }
0x199: {  	[sflag:s2] =	ssyncadd.s32 $0xFFFFFC00  }
0x19a: {  	_ =	sfence.sel $0x180000  }
0x19b: {  	[bflag:$0x0] =	sbarrier.arrive $0xFFFF  }
0x19c: {  	_ =	strace $0x90000047  }
0x19d: {  	s0 =	stileid.u32;
	[bflag:$0x2] =	sbarrier.arrive $0xFFFF  }
0x19e: {  	p0 =	sne.s32 s0, $0x0;
	s0 =	rddreg [dreg:$0x2]  }
0x19f: {  	s0 =	sadd.s32 @!p0 $0x100000, s0  }
0x1a0: {  	[sflag:s0] =	ssyncadd.tile.s32 @!p0 $0x1;
	_ =	shalt  }
.Lfunc_end2:
_tile_overlayer_lowered:
.L_overlay_start_2:
0x1a1: {  	(tag) =	ssettag $0x2  }
0x1a2: {  	s0 =	rddreg [dreg:$0x0];
	s2 =	stileid.u32  }
0x1a3: {  	s1 =	rddreg [dreg:$0x1];
	p0 =	sne.s32 s2, $0x0  }
0x1a4: {  	s3 =	rddreg [dreg:$0x2];
	[bflag:$0x3] =	sbarrier.arrive $0xFFFF;
	s2 =	simm.s32 @!p0 $0x1C05  }
0x1a5: {  	[timem:s3], [sflag:s2] =	dma.local @!p0 [hbm:s0], s1  }
0x1a6: {  	s0 =	simm.s32 @!p0 $0x5  }
0x1a7: {  	_ =	swait.ge @!p0 [sflag:s0], s1  }
0x1a8: {  	s1 =	ssub.s32 @!p0 $0x0, s1;
	[sflag:s0] =	ssyncset.done @!p0 $0x0  }
0x1a9: {  	[sflag:s0] =	ssyncadd.s32 @!p0 s1  }
0x1aa: {  	[bflag:$0x3] =	sbarrier.arrive $0xFFFF  }
0x1ab: {  	_ =	shalt  }

</sc_bundles>
